<compile_context>
chip_gen: v7x
topology: tpu7x:2x2x1
jax: 0.10.2.dev20260603
libtpu: 0.0.44.dev20260713+nightly
codegen_flags: <defaults>
</compile_context>

<pallas_src>
import functools

import jax
import jax.numpy as jnp
from jax import lax
from jax.experimental import pallas as pl
from jax.experimental.pallas import tpu as pltpu
from jax.experimental.pallas import tpu_sc as plsc

N = 10000
E = 320000
D = 128

NC = 2
NS = 16
NW = NC * NS

EPW = E // NW
CH = 128
NCHUNK = EPW // CH
TAIL = EPW - NCHUNK * CH
NBUF = 2
NIB = 4
UNROLL = 4
NSTEADY = 18

RPT = 624
ZB = 48
REM = N - NS * RPT


def _sc_body(x, src, dst, out,
             src_v, dst_v, rows_v, tsrc_v, tdst_v, trows_v, zbuf,
             acc, sem_i, sem_g, sem_s, sem_t, sem_z):
    cid = lax.axis_index("c")
    sid = lax.axis_index("s")
    wid = cid * NS + sid
    ebase = wid * EPW

    def issue_idx(c, b):
        pltpu.async_copy(src.at[pl.ds(ebase + c * CH, CH)], src_v[b], sem_i[b])
        pltpu.async_copy(dst.at[pl.ds(ebase + c * CH, CH)], dst_v[b], sem_i[b])

    def wait_idx(c, b):
        pltpu.make_async_copy(src.at[pl.ds(ebase + c * CH, CH)], src_v[b],
                              sem_i[b]).wait()
        pltpu.make_async_copy(dst.at[pl.ds(ebase + c * CH, CH)], dst_v[b],
                              sem_i[b]).wait()

    def issue_gather(b, q):
        pltpu.async_copy(x.at[src_v[q]], rows_v[b], sem_g[b])

    def wait_gather(b, q):
        pltpu.make_async_copy(x.at[src_v[q]], rows_v[b], sem_g[b]).wait()

    def issue_scatter(b, q):
        pltpu.async_copy(rows_v[b], acc.at[dst_v[q]], sem_s[b], add=True)

    def wait_scatter(b, q):
        pltpu.make_async_copy(rows_v[b], acc.at[dst_v[q]], sem_s[b]).wait()

    issue_idx(0, 0)
    issue_idx(1, 1)
    issue_idx(2, 2)
    issue_idx(3, 3)
    tbase = ebase + NCHUNK * CH
    pltpu.async_copy(src.at[pl.ds(tbase, TAIL)], tsrc_v, sem_t)
    pltpu.async_copy(dst.at[pl.ds(tbase, TAIL)], tdst_v, sem_t)

    def _zero(r, _):
        for cb in range(D // 16):
            zbuf[r, pl.ds(cb * 16, 16)] = jnp.zeros((16,), jnp.float32)
        return 0
    lax.fori_loop(0, ZB, _zero, 0)

    for j in range(RPT // ZB):
        pltpu.async_copy(zbuf, acc.at[pl.ds(sid * RPT + j * ZB, ZB)], sem_z)

    @pl.when(sid == NS - 1)
    def _zero_rem():
        pltpu.async_copy(zbuf.at[pl.ds(0, REM)], acc.at[pl.ds(NS * RPT, REM)],
                         sem_z)

    wait_idx(0, 0)
    issue_gather(0, 0)

    for j in range(RPT // ZB):
        pltpu.make_async_copy(zbuf, acc.at[pl.ds(sid * RPT + j * ZB, ZB)],
                              sem_z).wait()

    @pl.when(sid == NS - 1)
    def _zero_rem_wait():
        pltpu.make_async_copy(zbuf.at[pl.ds(0, REM)],
                              acc.at[pl.ds(NS * RPT, REM)], sem_z).wait()

    plsc.subcore_barrier()

    wait_idx(1, 1)
    issue_gather(1, 1)
    wait_gather(0, 0)
    issue_scatter(0, 0)

    def _steady(g, _):
        for k in range(UNROLL):
            c = g * UNROLL + k + 1
            b = (k + 1) % NBUF
            wait_idx(c + 1, (k + 2) % NIB)
            wait_scatter(1 - b, k % NIB)
            issue_gather(1 - b, (k + 2) % NIB)
            wait_gather(b, (k + 1) % NIB)
            issue_scatter(b, (k + 1) % NIB)
            issue_idx(c + 3, k % NIB)
        return 0
    lax.fori_loop(0, NSTEADY, _steady, 0)

    for c in range(NSTEADY * UNROLL + 1, NCHUNK):
        b = c % NBUF
        if c + 1 < NCHUNK:
            wait_idx(c + 1, (c + 1) % NIB)
        wait_scatter(1 - b, (c - 1) % NIB)
        if c + 1 < NCHUNK:
            issue_gather((c + 1) % NBUF, (c + 1) % NIB)
        wait_gather(b, c % NIB)
        issue_scatter(b, c % NIB)
        if c + 3 < NCHUNK:
            issue_idx(c + 3, (c + 3) % NIB)
    wait_scatter((NCHUNK - 1) % NBUF, (NCHUNK - 1) % NIB)

    pltpu.make_async_copy(src.at[pl.ds(tbase, TAIL)], tsrc_v, sem_t).wait()
    pltpu.make_async_copy(dst.at[pl.ds(tbase, TAIL)], tdst_v, sem_t).wait()
    pltpu.async_copy(x.at[tsrc_v], trows_v, sem_t).wait()
    pltpu.sync_copy(trows_v, acc.at[tdst_v], add=True)

    plsc.subcore_barrier()

    r0 = sid * RPT
    pltpu.async_copy(acc.at[pl.ds(r0, RPT)],
                     out.at[pl.ds(cid * N + r0, RPT)], sem_t)
    pltpu.make_async_copy(acc.at[pl.ds(r0, RPT)],
                          out.at[pl.ds(cid * N + r0, RPT)], sem_t).wait()

    @pl.when(sid == NS - 1)
    def _write_rem():
        pltpu.async_copy(acc.at[pl.ds(NS * RPT, REM)],
                         out.at[pl.ds(cid * N + NS * RPT, REM)], sem_t)
        pltpu.make_async_copy(acc.at[pl.ds(NS * RPT, REM)],
                              out.at[pl.ds(cid * N + NS * RPT, REM)],
                              sem_t).wait()


_sc_scatter = functools.partial(
    pl.kernel,
    out_type=jax.ShapeDtypeStruct((NC * N, D), jnp.float32),
    mesh=plsc.VectorSubcoreMesh(core_axis_name="c", subcore_axis_name="s"),
    scratch_types=[
        [pltpu.VMEM((CH,), jnp.int32) for _ in range(NIB)],
        [pltpu.VMEM((CH,), jnp.int32) for _ in range(NIB)],
        [pltpu.VMEM((CH, D), jnp.float32) for _ in range(NBUF)],
        pltpu.VMEM((TAIL,), jnp.int32),
        pltpu.VMEM((TAIL,), jnp.int32),
        pltpu.VMEM((TAIL, D), jnp.float32),
        pltpu.VMEM((ZB, D), jnp.float32),
        pltpu.VMEM_SHARED((N, D), jnp.float32),
        [pltpu.SemaphoreType.DMA for _ in range(NIB)],
        [pltpu.SemaphoreType.DMA for _ in range(NBUF)],
        [pltpu.SemaphoreType.DMA for _ in range(NBUF)],
        pltpu.SemaphoreType.DMA,
        pltpu.SemaphoreType.DMA,
    ],
)(_sc_body)


def _comb_body(p_ref, w_ref, b_ref, o_ref):
    o_ref[...] = jnp.dot(p_ref[0] + p_ref[1], w_ref[...],
                         preferred_element_type=jnp.float32,
                         precision=lax.Precision.HIGHEST) + b_ref[...]


def _combine_matmul(partial, w, bias):
    BM = 2000
    return pl.pallas_call(
        _comb_body,
        grid=(N // BM,),
        in_specs=[
            pl.BlockSpec((2, BM, D), lambda i: (0, i, 0)),
            pl.BlockSpec((D, D), lambda i: (0, 0)),
            pl.BlockSpec((1, D), lambda i: (0, 0)),
        ],
        out_specs=pl.BlockSpec((BM, D), lambda i: (i, 0)),
        out_shape=jax.ShapeDtypeStruct((N, D), jnp.float32),
    )(partial, w, bias)


def kernel(x, edge_index, weight, bias):
    src = edge_index[0]
    dst = edge_index[1]
    partial = _sc_scatter(x, src, dst)
    return _combine_matmul(partial.reshape(NC, N, D), weight,
                           bias.reshape(1, D))

# --- scband reference (transcript-rebuilt; emitter-appended) ---
"""Pipeline reference for scband-graph-convolution-layer-51737176047901 (READ-ONLY COPY).

The authoritative reference and input builder live on the scoring server;
editing this copy changes nothing except your own understanding.
"""

import jax, jax.numpy as jnp
import numpy as np

N = 10000
E = 320000
D_IN = 128
D_OUT = 128


def setup_inputs(seed: int = 0) -> dict:
    key = jax.random.key(seed)
    k1, k2, k3 = jax.random.split(key, 3)
    x = jax.random.normal(k1, (N, D_IN), dtype=jnp.float32)
    edge_index = jax.random.randint(k2, (2, E), 0, N, dtype=jnp.int32)
    # Xavier uniform init for weight, zeros for bias (matches torch init)
    limit = float(np.sqrt(6.0 / (D_IN + D_OUT)))
    weight = jax.random.uniform(k3, (D_IN, D_OUT), dtype=jnp.float32, minval=-limit, maxval=limit)
    bias = jnp.zeros((D_OUT,), dtype=jnp.float32)
    return {"x": x, "edge_index": edge_index, "weight": weight, "bias": bias}


def reference(x, edge_index, weight, bias):
    # x: [N, D_IN], edge_index: [2, E]
    src = edge_index[0]
    dst = edge_index[1]
    xw = jnp.matmul(x, weight)                      # [N, D_OUT]
    messages = jnp.take(xw, src, axis=0)            # gather: [E, D_OUT]
    out = jax.ops.segment_sum(messages, dst, num_segments=x.shape[0])  # scatter-add
    out = out + bias
    return out

if __name__ == "__main__":
    import jax
    _d = setup_inputs()
    print(jax.jit(kernel)(*tuple(_d.values())))

</pallas_src>

<mosaic_0001>
#map = affine_map<(d0, d1) -> (0, 0)>
#map1 = affine_map<(d0, d1) -> (0)>
module attributes {stable_mosaic.version = 14 : i64} {
  func.func @_sc_body(%arg0: i32, %arg1: i32, %arg2: memref<10000x128xf32, #tpu.memory_space<hbm>>, %arg3: memref<320000xi32, #tpu.memory_space<hbm>>, %arg4: memref<320000xi32, #tpu.memory_space<hbm>>, %arg5: memref<20000x128xf32, #tpu.memory_space<hbm>>, %arg6: memref<128xi32, #tpu.memory_space<vmem>>, %arg7: memref<128xi32, #tpu.memory_space<vmem>>, %arg8: memref<128xi32, #tpu.memory_space<vmem>>, %arg9: memref<128xi32, #tpu.memory_space<vmem>>, %arg10: memref<128xi32, #tpu.memory_space<vmem>>, %arg11: memref<128xi32, #tpu.memory_space<vmem>>, %arg12: memref<128xi32, #tpu.memory_space<vmem>>, %arg13: memref<128xi32, #tpu.memory_space<vmem>>, %arg14: memref<128x128xf32, #tpu.memory_space<vmem>>, %arg15: memref<128x128xf32, #tpu.memory_space<vmem>>, %arg16: memref<16xi32, #tpu.memory_space<vmem>>, %arg17: memref<16xi32, #tpu.memory_space<vmem>>, %arg18: memref<16x128xf32, #tpu.memory_space<vmem>>, %arg19: memref<48x128xf32, #tpu.memory_space<vmem>>, %arg20: memref<10000x128xf32, #tpu.memory_space<vmem_shared>>, %arg21: memref<!tpu.dma_semaphore, #tpu.memory_space<semaphore_mem>>, %arg22: memref<!tpu.dma_semaphore, #tpu.memory_space<semaphore_mem>>, %arg23: memref<!tpu.dma_semaphore, #tpu.memory_space<semaphore_mem>>, %arg24: memref<!tpu.dma_semaphore, #tpu.memory_space<semaphore_mem>>, %arg25: memref<!tpu.dma_semaphore, #tpu.memory_space<semaphore_mem>>, %arg26: memref<!tpu.dma_semaphore, #tpu.memory_space<semaphore_mem>>, %arg27: memref<!tpu.dma_semaphore, #tpu.memory_space<semaphore_mem>>, %arg28: memref<!tpu.dma_semaphore, #tpu.memory_space<semaphore_mem>>, %arg29: memref<!tpu.dma_semaphore, #tpu.memory_space<semaphore_mem>>, %arg30: memref<!tpu.dma_semaphore, #tpu.memory_space<semaphore_mem>>) attributes {dimension_semantics = [#tpu.dimension_semantics<core_parallel>, #tpu.dimension_semantics<subcore_parallel>], iteration_bounds = array<i64: 2, 16>, scalar_prefetch = 0 : i64, scratch_operands = 25 : i64, tpu.core_type = #tpu.core_type<sc_vector_subcore>, window_params = [{transform_indices = #map}, {transform_indices = #map1}, {transform_indices = #map1}, {transform_indices = #map}]} {
    %mul3A = arith.constant 16 : i32
    %mul3A_0 = arith.muli %arg0, %mul3A : i32
    %add3A = arith.addi %mul3A_0, %arg1 : i32
    %mul3A_1 = arith.constant 10000 : i32
    %mul3A_2 = arith.muli %add3A, %mul3A_1 : i32
    %add3A_3 = arith.constant 0 : i32
    %add3A_4 = arith.addi %mul3A_2, %add3A_3 : i32
    %dma_start3A = tpu.memref_slice %arg3[%add3A_4] : memref<320000xi32, #tpu.memory_space<hbm>> -> memref<128xi32, #tpu.memory_space<hbm>>
    %dma_start3A_5 = tpu.memref_slice %arg3[%add3A_4] : memref<320000xi32, #tpu.memory_space<hbm>> -> memref<128xi32, #tpu.memory_space<hbm>>
    tpu.enqueue_dma source(%dma_start3A_5 : memref<128xi32, #tpu.memory_space<hbm>>) target(%arg6 : memref<128xi32, #tpu.memory_space<vmem>>) target_semaphore(%arg21 : memref<!tpu.dma_semaphore, #tpu.memory_space<semaphore_mem>>)
    %add3A_6 = arith.constant 0 : i32
    %add3A_7 = arith.addi %mul3A_2, %add3A_6 : i32
    %dma_start3A_8 = tpu.memref_slice %arg4[%add3A_7] : memref<320000xi32, #tpu.memory_space<hbm>> -> memref<128xi32, #tpu.memory_space<hbm>>
    %dma_start3A_9 = tpu.memref_slice %arg4[%add3A_7] : memref<320000xi32, #tpu.memory_space<hbm>> -> memref<128xi32, #tpu.memory_space<hbm>>
    tpu.enqueue_dma source(%dma_start3A_9 : memref<128xi32, #tpu.memory_space<hbm>>) target(%arg10 : memref<128xi32, #tpu.memory_space<vmem>>) target_semaphore(%arg21 : memref<!tpu.dma_semaphore, #tpu.memory_space<semaphore_mem>>)
    %add3A_10 = arith.constant 128 : i32
    %add3A_11 = arith.addi %mul3A_2, %add3A_10 : i32
    %dma_start3A_12 = tpu.memref_slice %arg3[%add3A_11] : memref<320000xi32, #tpu.memory_space<hbm>> -> memref<128xi32, #tpu.memory_space<hbm>>
    %dma_start3A_13 = tpu.memref_slice %arg3[%add3A_11] : memref<320000xi32, #tpu.memory_space<hbm>> -> memref<128xi32, #tpu.memory_space<hbm>>
    tpu.enqueue_dma source(%dma_start3A_13 : memref<128xi32, #tpu.memory_space<hbm>>) target(%arg7 : memref<128xi32, #tpu.memory_space<vmem>>) target_semaphore(%arg22 : memref<!tpu.dma_semaphore, #tpu.memory_space<semaphore_mem>>)
    %add3A_14 = arith.constant 128 : i32
    %add3A_15 = arith.addi %mul3A_2, %add3A_14 : i32
    %dma_start3A_16 = tpu.memref_slice %arg4[%add3A_15] : memref<320000xi32, #tpu.memory_space<hbm>> -> memref<128xi32, #tpu.memory_space<hbm>>
    %dma_start3A_17 = tpu.memref_slice %arg4[%add3A_15] : memref<320000xi32, #tpu.memory_space<hbm>> -> memref<128xi32, #tpu.memory_space<hbm>>
    tpu.enqueue_dma source(%dma_start3A_17 : memref<128xi32, #tpu.memory_space<hbm>>) target(%arg11 : memref<128xi32, #tpu.memory_space<vmem>>) target_semaphore(%arg22 : memref<!tpu.dma_semaphore, #tpu.memory_space<semaphore_mem>>)
    %add3A_18 = arith.constant 256 : i32
    %add3A_19 = arith.addi %mul3A_2, %add3A_18 : i32
    %dma_start3A_20 = tpu.memref_slice %arg3[%add3A_19] : memref<320000xi32, #tpu.memory_space<hbm>> -> memref<128xi32, #tpu.memory_space<hbm>>
    %dma_start3A_21 = tpu.memref_slice %arg3[%add3A_19] : memref<320000xi32, #tpu.memory_space<hbm>> -> memref<128xi32, #tpu.memory_space<hbm>>
    tpu.enqueue_dma source(%dma_start3A_21 : memref<128xi32, #tpu.memory_space<hbm>>) target(%arg8 : memref<128xi32, #tpu.memory_space<vmem>>) target_semaphore(%arg23 : memref<!tpu.dma_semaphore, #tpu.memory_space<semaphore_mem>>)
    %add3A_22 = arith.constant 256 : i32
    %add3A_23 = arith.addi %mul3A_2, %add3A_22 : i32
    %dma_start3A_24 = tpu.memref_slice %arg4[%add3A_23] : memref<320000xi32, #tpu.memory_space<hbm>> -> memref<128xi32, #tpu.memory_space<hbm>>
    %dma_start3A_25 = tpu.memref_slice %arg4[%add3A_23] : memref<320000xi32, #tpu.memory_space<hbm>> -> memref<128xi32, #tpu.memory_space<hbm>>
    tpu.enqueue_dma source(%dma_start3A_25 : memref<128xi32, #tpu.memory_space<hbm>>) target(%arg12 : memref<128xi32, #tpu.memory_space<vmem>>) target_semaphore(%arg23 : memref<!tpu.dma_semaphore, #tpu.memory_space<semaphore_mem>>)
    %add3A_26 = arith.constant 384 : i32
    %add3A_27 = arith.addi %mul3A_2, %add3A_26 : i32
    %dma_start3A_28 = tpu.memref_slice %arg3[%add3A_27] : memref<320000xi32, #tpu.memory_space<hbm>> -> memref<128xi32, #tpu.memory_space<hbm>>
    %dma_start3A_29 = tpu.memref_slice %arg3[%add3A_27] : memref<320000xi32, #tpu.memory_space<hbm>> -> memref<128xi32, #tpu.memory_space<hbm>>
    tpu.enqueue_dma source(%dma_start3A_29 : memref<128xi32, #tpu.memory_space<hbm>>) target(%arg9 : memref<128xi32, #tpu.memory_space<vmem>>) target_semaphore(%arg24 : memref<!tpu.dma_semaphore, #tpu.memory_space<semaphore_mem>>)
    %add3A_30 = arith.constant 384 : i32
    %add3A_31 = arith.addi %mul3A_2, %add3A_30 : i32
    %dma_start3A_32 = tpu.memref_slice %arg4[%add3A_31] : memref<320000xi32, #tpu.memory_space<hbm>> -> memref<128xi32, #tpu.memory_space<hbm>>
    %dma_start3A_33 = tpu.memref_slice %arg4[%add3A_31] : memref<320000xi32, #tpu.memory_space<hbm>> -> memref<128xi32, #tpu.memory_space<hbm>>
    tpu.enqueue_dma source(%dma_start3A_33 : memref<128xi32, #tpu.memory_space<hbm>>) target(%arg13 : memref<128xi32, #tpu.memory_space<vmem>>) target_semaphore(%arg24 : memref<!tpu.dma_semaphore, #tpu.memory_space<semaphore_mem>>)
    %add3A_34 = arith.constant 9984 : i32
    %add3A_35 = arith.addi %mul3A_2, %add3A_34 : i32
    %dma_start3A_36 = tpu.memref_slice %arg3[%add3A_35] : memref<320000xi32, #tpu.memory_space<hbm>> -> memref<16xi32, #tpu.memory_space<hbm>>
    %dma_start3A_37 = tpu.memref_slice %arg3[%add3A_35] : memref<320000xi32, #tpu.memory_space<hbm>> -> memref<16xi32, #tpu.memory_space<hbm>>
    tpu.enqueue_dma source(%dma_start3A_37 : memref<16xi32, #tpu.memory_space<hbm>>) target(%arg16 : memref<16xi32, #tpu.memory_space<vmem>>) target_semaphore(%arg29 : memref<!tpu.dma_semaphore, #tpu.memory_space<semaphore_mem>>)
    %dma_start3A_38 = tpu.memref_slice %arg4[%add3A_35] : memref<320000xi32, #tpu.memory_space<hbm>> -> memref<16xi32, #tpu.memory_space<hbm>>
    %dma_start3A_39 = tpu.memref_slice %arg4[%add3A_35] : memref<320000xi32, #tpu.memory_space<hbm>> -> memref<16xi32, #tpu.memory_space<hbm>>
    tpu.enqueue_dma source(%dma_start3A_39 : memref<16xi32, #tpu.memory_space<hbm>>) target(%arg17 : memref<16xi32, #tpu.memory_space<vmem>>) target_semaphore(%arg29 : memref<!tpu.dma_semaphore, #tpu.memory_space<semaphore_mem>>)
    %scan3A = arith.constant 0 : i32
    %scan3A_40 = arith.constant 0 : i32
    %scan3A_41 = arith.constant 48 : i32
    %scan3A_42 = arith.addi %scan3A_40, %scan3A_41 : i32
    %scan3A_43 = arith.constant 1 : i32
    %scan3A_44 = scf.for %scan3A_435 = %scan3A_40 to %scan3A_42 step %scan3A_43 iter_args(%scan3A_436 = %scan3A) -> (i32)  : i32 {
      %broadcast_in_dim3A = arith.constant 0.000000e+00 : f32
      %broadcast_in_dim3A_437 = vector.broadcast %broadcast_in_dim3A : f32 to vector<16xf32>
      %swap3A = arith.index_cast %scan3A_435 : i32 to index
      %swap3A_438 = arith.constant 0 : index
      %swap3A_439 = tpu.vector_load %arg19[%swap3A, %swap3A_438] {strides = array<i32>} : memref<48x128xf32, #tpu.memory_space<vmem>>, vector<1x16xf32>,
      %swap3A_440 = vector.shape_cast %swap3A_439 : vector<1x16xf32> to vector<16xf32>
      %swap3A_441 = vector.shape_cast %broadcast_in_dim3A_437 : vector<16xf32> to vector<1x16xf32>
      tpu.vector_store %arg19[%swap3A, %swap3A_438], %swap3A_441 {strides = array<i32>} : memref<48x128xf32, #tpu.memory_space<vmem>>, vector<1x16xf32>,
      %broadcast_in_dim3A_442 = arith.constant 0.000000e+00 : f32
      %broadcast_in_dim3A_443 = vector.broadcast %broadcast_in_dim3A_442 : f32 to vector<16xf32>
      %swap3A_444 = arith.index_cast %scan3A_435 : i32 to index
      %swap3A_445 = arith.constant 16 : index
      %swap3A_446 = tpu.vector_load %arg19[%swap3A_444, %swap3A_445] {strides = array<i32>} : memref<48x128xf32, #tpu.memory_space<vmem>>, vector<1x16xf32>,
      %swap3A_447 = vector.shape_cast %swap3A_446 : vector<1x16xf32> to vector<16xf32>
      %swap3A_448 = vector.shape_cast %broadcast_in_dim3A_443 : vector<16xf32> to vector<1x16xf32>
      tpu.vector_store %arg19[%swap3A_444, %swap3A_445], %swap3A_448 {strides = array<i32>} : memref<48x128xf32, #tpu.memory_space<vmem>>, vector<1x16xf32>,
      %broadcast_in_dim3A_449 = arith.constant 0.000000e+00 : f32
      %broadcast_in_dim3A_450 = vector.broadcast %broadcast_in_dim3A_449 : f32 to vector<16xf32>
      %swap3A_451 = arith.index_cast %scan3A_435 : i32 to index
      %swap3A_452 = arith.constant 32 : index
      %swap3A_453 = tpu.vector_load %arg19[%swap3A_451, %swap3A_452] {strides = array<i32>} : memref<48x128xf32, #tpu.memory_space<vmem>>, vector<1x16xf32>,
      %swap3A_454 = vector.shape_cast %swap3A_453 : vector<1x16xf32> to vector<16xf32>
      %swap3A_455 = vector.shape_cast %broadcast_in_dim3A_450 : vector<16xf32> to vector<1x16xf32>
      tpu.vector_store %arg19[%swap3A_451, %swap3A_452], %swap3A_455 {strides = array<i32>} : memref<48x128xf32, #tpu.memory_space<vmem>>, vector<1x16xf32>,
      %broadcast_in_dim3A_456 = arith.constant 0.000000e+00 : f32
      %broadcast_in_dim3A_457 = vector.broadcast %broadcast_in_dim3A_456 : f32 to vector<16xf32>
      %swap3A_458 = arith.index_cast %scan3A_435 : i32 to index
      %swap3A_459 = arith.constant 48 : index
      %swap3A_460 = tpu.vector_load %arg19[%swap3A_458, %swap3A_459] {strides = array<i32>} : memref<48x128xf32, #tpu.memory_space<vmem>>, vector<1x16xf32>,
      %swap3A_461 = vector.shape_cast %swap3A_460 : vector<1x16xf32> to vector<16xf32>
      %swap3A_462 = vector.shape_cast %broadcast_in_dim3A_457 : vector<16xf32> to vector<1x16xf32>
      tpu.vector_store %arg19[%swap3A_458, %swap3A_459], %swap3A_462 {strides = array<i32>} : memref<48x128xf32, #tpu.memory_space<vmem>>, vector<1x16xf32>,
      %broadcast_in_dim3A_463 = arith.constant 0.000000e+00 : f32
      %broadcast_in_dim3A_464 = vector.broadcast %broadcast_in_dim3A_463 : f32 to vector<16xf32>
      %swap3A_465 = arith.index_cast %scan3A_435 : i32 to index
      %swap3A_466 = arith.constant 64 : index
      %swap3A_467 = tpu.vector_load %arg19[%swap3A_465, %swap3A_466] {strides = array<i32>} : memref<48x128xf32, #tpu.memory_space<vmem>>, vector<1x16xf32>,
      %swap3A_468 = vector.shape_cast %swap3A_467 : vector<1x16xf32> to vector<16xf32>
      %swap3A_469 = vector.shape_cast %broadcast_in_dim3A_464 : vector<16xf32> to vector<1x16xf32>
      tpu.vector_store %arg19[%swap3A_465, %swap3A_466], %swap3A_469 {strides = array<i32>} : memref<48x128xf32, #tpu.memory_space<vmem>>, vector<1x16xf32>,
      %broadcast_in_dim3A_470 = arith.constant 0.000000e+00 : f32
      %broadcast_in_dim3A_471 = vector.broadcast %broadcast_in_dim3A_470 : f32 to vector<16xf32>
      %swap3A_472 = arith.index_cast %scan3A_435 : i32 to index
      %swap3A_473 = arith.constant 80 : index
      %swap3A_474 = tpu.vector_load %arg19[%swap3A_472, %swap3A_473] {strides = array<i32>} : memref<48x128xf32, #tpu.memory_space<vmem>>, vector<1x16xf32>,
      %swap3A_475 = vector.shape_cast %swap3A_474 : vector<1x16xf32> to vector<16xf32>
      %swap3A_476 = vector.shape_cast %broadcast_in_dim3A_471 : vector<16xf32> to vector<1x16xf32>
      tpu.vector_store %arg19[%swap3A_472, %swap3A_473], %swap3A_476 {strides = array<i32>} : memref<48x128xf32, #tpu.memory_space<vmem>>, vector<1x16xf32>,
      %broadcast_in_dim3A_477 = arith.constant 0.000000e+00 : f32
      %broadcast_in_dim3A_478 = vector.broadcast %broadcast_in_dim3A_477 : f32 to vector<16xf32>
      %swap3A_479 = arith.index_cast %scan3A_435 : i32 to index
      %swap3A_480 = arith.constant 96 : index
      %swap3A_481 = tpu.vector_load %arg19[%swap3A_479, %swap3A_480] {strides = array<i32>} : memref<48x128xf32, #tpu.memory_space<vmem>>, vector<1x16xf32>,
      %swap3A_482 = vector.shape_cast %swap3A_481 : vector<1x16xf32> to vector<16xf32>
      %swap3A_483 = vector.shape_cast %broadcast_in_dim3A_478 : vector<16xf32> to vector<1x16xf32>
      tpu.vector_store %arg19[%swap3A_479, %swap3A_480], %swap3A_483 {strides = array<i32>} : memref<48x128xf32, #tpu.memory_space<vmem>>, vector<1x16xf32>,
      %broadcast_in_dim3A_484 = arith.constant 0.000000e+00 : f32
      %broadcast_in_dim3A_485 = vector.broadcast %broadcast_in_dim3A_484 : f32 to vector<16xf32>
      %swap3A_486 = arith.index_cast %scan3A_435 : i32 to index
      %swap3A_487 = arith.constant 112 : index
      %swap3A_488 = tpu.vector_load %arg19[%swap3A_486, %swap3A_487] {strides = array<i32>} : memref<48x128xf32, #tpu.memory_space<vmem>>, vector<1x16xf32>,
      %swap3A_489 = vector.shape_cast %swap3A_488 : vector<1x16xf32> to vector<16xf32>
      %swap3A_490 = vector.shape_cast %broadcast_in_dim3A_485 : vector<16xf32> to vector<1x16xf32>
      tpu.vector_store %arg19[%swap3A_486, %swap3A_487], %swap3A_490 {strides = array<i32>} : memref<48x128xf32, #tpu.memory_space<vmem>>, vector<1x16xf32>,
      %scan3A_491 = arith.constant 0 : i32
      scf.yield %scan3A_491 : i32
    }
    %scan3A_45 = arith.constant 48 : i32
    %mul3A_46 = arith.constant 624 : i32
    %mul3A_47 = arith.muli %arg1, %mul3A_46 : i32
    %add3A_48 = arith.constant 0 : i32
    %add3A_49 = arith.addi %mul3A_47, %add3A_48 : i32
    %dma_start3A_50 = arith.constant 0 : i32
    %dma_start3A_51 = tpu.memref_slice %arg20[%add3A_49, %dma_start3A_50] : memref<10000x128xf32, #tpu.memory_space<vmem_shared>> -> memref<48x128xf32, #tpu.memory_space<vmem_shared>>
    %dma_start3A_52 = arith.constant 0 : i32
    %dma_start3A_53 = tpu.memref_slice %arg20[%add3A_49, %dma_start3A_52] : memref<10000x128xf32, #tpu.memory_space<vmem_shared>> -> memref<48x128xf32, #tpu.memory_space<vmem_shared>>
    tpu.enqueue_dma source(%arg19 : memref<48x128xf32, #tpu.memory_space<vmem>>) target(%dma_start3A_53 : memref<48x128xf32, #tpu.memory_space<vmem_shared>>) target_semaphore(%arg30 : memref<!tpu.dma_semaphore, #tpu.memory_space<semaphore_mem>>)
    %mul3A_54 = arith.constant 624 : i32
    %mul3A_55 = arith.muli %arg1, %mul3A_54 : i32
    %add3A_56 = arith.constant 48 : i32
    %add3A_57 = arith.addi %mul3A_55, %add3A_56 : i32
    %dma_start3A_58 = arith.constant 0 : i32
    %dma_start3A_59 = tpu.memref_slice %arg20[%add3A_57, %dma_start3A_58] : memref<10000x128xf32, #tpu.memory_space<vmem_shared>> -> memref<48x128xf32, #tpu.memory_space<vmem_shared>>
    %dma_start3A_60 = arith.constant 0 : i32
    %dma_start3A_61 = tpu.memref_slice %arg20[%add3A_57, %dma_start3A_60] : memref<10000x128xf32, #tpu.memory_space<vmem_shared>> -> memref<48x128xf32, #tpu.memory_space<vmem_shared>>
    tpu.enqueue_dma source(%arg19 : memref<48x128xf32, #tpu.memory_space<vmem>>) target(%dma_start3A_61 : memref<48x128xf32, #tpu.memory_space<vmem_shared>>) target_semaphore(%arg30 : memref<!tpu.dma_semaphore, #tpu.memory_space<semaphore_mem>>)
    %mul3A_62 = arith.constant 624 : i32
    %mul3A_63 = arith.muli %arg1, %mul3A_62 : i32
    %add3A_64 = arith.constant 96 : i32
    %add3A_65 = arith.addi %mul3A_63, %add3A_64 : i32
    %dma_start3A_66 = arith.constant 0 : i32
    %dma_start3A_67 = tpu.memref_slice %arg20[%add3A_65, %dma_start3A_66] : memref<10000x128xf32, #tpu.memory_space<vmem_shared>> -> memref<48x128xf32, #tpu.memory_space<vmem_shared>>
    %dma_start3A_68 = arith.constant 0 : i32
    %dma_start3A_69 = tpu.memref_slice %arg20[%add3A_65, %dma_start3A_68] : memref<10000x128xf32, #tpu.memory_space<vmem_shared>> -> memref<48x128xf32, #tpu.memory_space<vmem_shared>>
    tpu.enqueue_dma source(%arg19 : memref<48x128xf32, #tpu.memory_space<vmem>>) target(%dma_start3A_69 : memref<48x128xf32, #tpu.memory_space<vmem_shared>>) target_semaphore(%arg30 : memref<!tpu.dma_semaphore, #tpu.memory_space<semaphore_mem>>)
    %mul3A_70 = arith.constant 624 : i32
    %mul3A_71 = arith.muli %arg1, %mul3A_70 : i32
    %add3A_72 = arith.constant 144 : i32
    %add3A_73 = arith.addi %mul3A_71, %add3A_72 : i32
    %dma_start3A_74 = arith.constant 0 : i32
    %dma_start3A_75 = tpu.memref_slice %arg20[%add3A_73, %dma_start3A_74] : memref<10000x128xf32, #tpu.memory_space<vmem_shared>> -> memref<48x128xf32, #tpu.memory_space<vmem_shared>>
    %dma_start3A_76 = arith.constant 0 : i32
    %dma_start3A_77 = tpu.memref_slice %arg20[%add3A_73, %dma_start3A_76] : memref<10000x128xf32, #tpu.memory_space<vmem_shared>> -> memref<48x128xf32, #tpu.memory_space<vmem_shared>>
    tpu.enqueue_dma source(%arg19 : memref<48x128xf32, #tpu.memory_space<vmem>>) target(%dma_start3A_77 : memref<48x128xf32, #tpu.memory_space<vmem_shared>>) target_semaphore(%arg30 : memref<!tpu.dma_semaphore, #tpu.memory_space<semaphore_mem>>)
    %mul3A_78 = arith.constant 624 : i32
    %mul3A_79 = arith.muli %arg1, %mul3A_78 : i32
    %add3A_80 = arith.constant 192 : i32
    %add3A_81 = arith.addi %mul3A_79, %add3A_80 : i32
    %dma_start3A_82 = arith.constant 0 : i32
    %dma_start3A_83 = tpu.memref_slice %arg20[%add3A_81, %dma_start3A_82] : memref<10000x128xf32, #tpu.memory_space<vmem_shared>> -> memref<48x128xf32, #tpu.memory_space<vmem_shared>>
    %dma_start3A_84 = arith.constant 0 : i32
    %dma_start3A_85 = tpu.memref_slice %arg20[%add3A_81, %dma_start3A_84] : memref<10000x128xf32, #tpu.memory_space<vmem_shared>> -> memref<48x128xf32, #tpu.memory_space<vmem_shared>>
    tpu.enqueue_dma source(%arg19 : memref<48x128xf32, #tpu.memory_space<vmem>>) target(%dma_start3A_85 : memref<48x128xf32, #tpu.memory_space<vmem_shared>>) target_semaphore(%arg30 : memref<!tpu.dma_semaphore, #tpu.memory_space<semaphore_mem>>)
    %mul3A_86 = arith.constant 624 : i32
    %mul3A_87 = arith.muli %arg1, %mul3A_86 : i32
    %add3A_88 = arith.constant 240 : i32
    %add3A_89 = arith.addi %mul3A_87, %add3A_88 : i32
    %dma_start3A_90 = arith.constant 0 : i32
    %dma_start3A_91 = tpu.memref_slice %arg20[%add3A_89, %dma_start3A_90] : memref<10000x128xf32, #tpu.memory_space<vmem_shared>> -> memref<48x128xf32, #tpu.memory_space<vmem_shared>>
    %dma_start3A_92 = arith.constant 0 : i32
    %dma_start3A_93 = tpu.memref_slice %arg20[%add3A_89, %dma_start3A_92] : memref<10000x128xf32, #tpu.memory_space<vmem_shared>> -> memref<48x128xf32, #tpu.memory_space<vmem_shared>>
    tpu.enqueue_dma source(%arg19 : memref<48x128xf32, #tpu.memory_space<vmem>>) target(%dma_start3A_93 : memref<48x128xf32, #tpu.memory_space<vmem_shared>>) target_semaphore(%arg30 : memref<!tpu.dma_semaphore, #tpu.memory_space<semaphore_mem>>)
    %mul3A_94 = arith.constant 624 : i32
    %mul3A_95 = arith.muli %arg1, %mul3A_94 : i32
    %add3A_96 = arith.constant 288 : i32
    %add3A_97 = arith.addi %mul3A_95, %add3A_96 : i32
    %dma_start3A_98 = arith.constant 0 : i32
    %dma_start3A_99 = tpu.memref_slice %arg20[%add3A_97, %dma_start3A_98] : memref<10000x128xf32, #tpu.memory_space<vmem_shared>> -> memref<48x128xf32, #tpu.memory_space<vmem_shared>>
    %dma_start3A_100 = arith.constant 0 : i32
    %dma_start3A_101 = tpu.memref_slice %arg20[%add3A_97, %dma_start3A_100] : memref<10000x128xf32, #tpu.memory_space<vmem_shared>> -> memref<48x128xf32, #tpu.memory_space<vmem_shared>>
    tpu.enqueue_dma source(%arg19 : memref<48x128xf32, #tpu.memory_space<vmem>>) target(%dma_start3A_101 : memref<48x128xf32, #tpu.memory_space<vmem_shared>>) target_semaphore(%arg30 : memref<!tpu.dma_semaphore, #tpu.memory_space<semaphore_mem>>)
    %mul3A_102 = arith.constant 624 : i32
    %mul3A_103 = arith.muli %arg1, %mul3A_102 : i32
    %add3A_104 = arith.constant 336 : i32
    %add3A_105 = arith.addi %mul3A_103, %add3A_104 : i32
    %dma_start3A_106 = arith.constant 0 : i32
    %dma_start3A_107 = tpu.memref_slice %arg20[%add3A_105, %dma_start3A_106] : memref<10000x128xf32, #tpu.memory_space<vmem_shared>> -> memref<48x128xf32, #tpu.memory_space<vmem_shared>>
    %dma_start3A_108 = arith.constant 0 : i32
    %dma_start3A_109 = tpu.memref_slice %arg20[%add3A_105, %dma_start3A_108] : memref<10000x128xf32, #tpu.memory_space<vmem_shared>> -> memref<48x128xf32, #tpu.memory_space<vmem_shared>>
    tpu.enqueue_dma source(%arg19 : memref<48x128xf32, #tpu.memory_space<vmem>>) target(%dma_start3A_109 : memref<48x128xf32, #tpu.memory_space<vmem_shared>>) target_semaphore(%arg30 : memref<!tpu.dma_semaphore, #tpu.memory_space<semaphore_mem>>)
    %mul3A_110 = arith.constant 624 : i32
    %mul3A_111 = arith.muli %arg1, %mul3A_110 : i32
    %add3A_112 = arith.constant 384 : i32
    %add3A_113 = arith.addi %mul3A_111, %add3A_112 : i32
    %dma_start3A_114 = arith.constant 0 : i32
    %dma_start3A_115 = tpu.memref_slice %arg20[%add3A_113, %dma_start3A_114] : memref<10000x128xf32, #tpu.memory_space<vmem_shared>> -> memref<48x128xf32, #tpu.memory_space<vmem_shared>>
    %dma_start3A_116 = arith.constant 0 : i32
    %dma_start3A_117 = tpu.memref_slice %arg20[%add3A_113, %dma_start3A_116] : memref<10000x128xf32, #tpu.memory_space<vmem_shared>> -> memref<48x128xf32, #tpu.memory_space<vmem_shared>>
    tpu.enqueue_dma source(%arg19 : memref<48x128xf32, #tpu.memory_space<vmem>>) target(%dma_start3A_117 : memref<48x128xf32, #tpu.memory_space<vmem_shared>>) target_semaphore(%arg30 : memref<!tpu.dma_semaphore, #tpu.memory_space<semaphore_mem>>)
    %mul3A_118 = arith.constant 624 : i32
    %mul3A_119 = arith.muli %arg1, %mul3A_118 : i32
    %add3A_120 = arith.constant 432 : i32
    %add3A_121 = arith.addi %mul3A_119, %add3A_120 : i32
    %dma_start3A_122 = arith.constant 0 : i32
    %dma_start3A_123 = tpu.memref_slice %arg20[%add3A_121, %dma_start3A_122] : memref<10000x128xf32, #tpu.memory_space<vmem_shared>> -> memref<48x128xf32, #tpu.memory_space<vmem_shared>>
    %dma_start3A_124 = arith.constant 0 : i32
    %dma_start3A_125 = tpu.memref_slice %arg20[%add3A_121, %dma_start3A_124] : memref<10000x128xf32, #tpu.memory_space<vmem_shared>> -> memref<48x128xf32, #tpu.memory_space<vmem_shared>>
    tpu.enqueue_dma source(%arg19 : memref<48x128xf32, #tpu.memory_space<vmem>>) target(%dma_start3A_125 : memref<48x128xf32, #tpu.memory_space<vmem_shared>>) target_semaphore(%arg30 : memref<!tpu.dma_semaphore, #tpu.memory_space<semaphore_mem>>)
    %mul3A_126 = arith.constant 624 : i32
    %mul3A_127 = arith.muli %arg1, %mul3A_126 : i32
    %add3A_128 = arith.constant 480 : i32
    %add3A_129 = arith.addi %mul3A_127, %add3A_128 : i32
    %dma_start3A_130 = arith.constant 0 : i32
    %dma_start3A_131 = tpu.memref_slice %arg20[%add3A_129, %dma_start3A_130] : memref<10000x128xf32, #tpu.memory_space<vmem_shared>> -> memref<48x128xf32, #tpu.memory_space<vmem_shared>>
    %dma_start3A_132 = arith.constant 0 : i32
    %dma_start3A_133 = tpu.memref_slice %arg20[%add3A_129, %dma_start3A_132] : memref<10000x128xf32, #tpu.memory_space<vmem_shared>> -> memref<48x128xf32, #tpu.memory_space<vmem_shared>>
    tpu.enqueue_dma source(%arg19 : memref<48x128xf32, #tpu.memory_space<vmem>>) target(%dma_start3A_133 : memref<48x128xf32, #tpu.memory_space<vmem_shared>>) target_semaphore(%arg30 : memref<!tpu.dma_semaphore, #tpu.memory_space<semaphore_mem>>)
    %mul3A_134 = arith.constant 624 : i32
    %mul3A_135 = arith.muli %arg1, %mul3A_134 : i32
    %add3A_136 = arith.constant 528 : i32
    %add3A_137 = arith.addi %mul3A_135, %add3A_136 : i32
    %dma_start3A_138 = arith.constant 0 : i32
    %dma_start3A_139 = tpu.memref_slice %arg20[%add3A_137, %dma_start3A_138] : memref<10000x128xf32, #tpu.memory_space<vmem_shared>> -> memref<48x128xf32, #tpu.memory_space<vmem_shared>>
    %dma_start3A_140 = arith.constant 0 : i32
    %dma_start3A_141 = tpu.memref_slice %arg20[%add3A_137, %dma_start3A_140] : memref<10000x128xf32, #tpu.memory_space<vmem_shared>> -> memref<48x128xf32, #tpu.memory_space<vmem_shared>>
    tpu.enqueue_dma source(%arg19 : memref<48x128xf32, #tpu.memory_space<vmem>>) target(%dma_start3A_141 : memref<48x128xf32, #tpu.memory_space<vmem_shared>>) target_semaphore(%arg30 : memref<!tpu.dma_semaphore, #tpu.memory_space<semaphore_mem>>)
    %mul3A_142 = arith.constant 624 : i32
    %mul3A_143 = arith.muli %arg1, %mul3A_142 : i32
    %add3A_144 = arith.constant 576 : i32
    %add3A_145 = arith.addi %mul3A_143, %add3A_144 : i32
    %dma_start3A_146 = arith.constant 0 : i32
    %dma_start3A_147 = tpu.memref_slice %arg20[%add3A_145, %dma_start3A_146] : memref<10000x128xf32, #tpu.memory_space<vmem_shared>> -> memref<48x128xf32, #tpu.memory_space<vmem_shared>>
    %dma_start3A_148 = arith.constant 0 : i32
    %dma_start3A_149 = tpu.memref_slice %arg20[%add3A_145, %dma_start3A_148] : memref<10000x128xf32, #tpu.memory_space<vmem_shared>> -> memref<48x128xf32, #tpu.memory_space<vmem_shared>>
    tpu.enqueue_dma source(%arg19 : memref<48x128xf32, #tpu.memory_space<vmem>>) target(%dma_start3A_149 : memref<48x128xf32, #tpu.memory_space<vmem_shared>>) target_semaphore(%arg30 : memref<!tpu.dma_semaphore, #tpu.memory_space<semaphore_mem>>)
    %eq3A = arith.constant 15 : i32
    %eq3A_150 = arith.cmpi eq, %arg1, %eq3A : i32
    %convert_element_type3A = arith.extui %eq3A_150 : i1 to i32
    %cond3A = arith.constant 0 : i32
    %cond3A_151 = arith.cmpi ne, %convert_element_type3A, %cond3A : i32
    scf.if %cond3A_151 {
      %dma_start3A_435 = arith.constant 0 : i32
      %dma_start3A_436 = arith.constant 0 : i32
      %dma_start3A_437 = tpu.memref_slice %arg19[%dma_start3A_435, %dma_start3A_436] : memref<48x128xf32, #tpu.memory_space<vmem>> -> memref<16x128xf32, #tpu.memory_space<vmem>>
      %dma_start3A_438 = arith.constant 9984 : i32
      %dma_start3A_439 = arith.constant 0 : i32
      %dma_start3A_440 = tpu.memref_slice %arg20[%dma_start3A_438, %dma_start3A_439] : memref<10000x128xf32, #tpu.memory_space<vmem_shared>> -> memref<16x128xf32, #tpu.memory_space<vmem_shared>>
      %dma_start3A_441 = arith.constant 9984 : i32
      %dma_start3A_442 = arith.constant 0 : i32
      %dma_start3A_443 = tpu.memref_slice %arg20[%dma_start3A_441, %dma_start3A_442] : memref<10000x128xf32, #tpu.memory_space<vmem_shared>> -> memref<16x128xf32, #tpu.memory_space<vmem_shared>>
      %dma_start3A_444 = arith.constant 0 : i32
      %dma_start3A_445 = arith.constant 0 : i32
      %dma_start3A_446 = tpu.memref_slice %arg19[%dma_start3A_444, %dma_start3A_445] : memref<48x128xf32, #tpu.memory_space<vmem>> -> memref<16x128xf32, #tpu.memory_space<vmem>>
      tpu.enqueue_dma source(%dma_start3A_446 : memref<16x128xf32, #tpu.memory_space<vmem>>) target(%dma_start3A_443 : memref<16x128xf32, #tpu.memory_space<vmem_shared>>) target_semaphore(%arg30 : memref<!tpu.dma_semaphore, #tpu.memory_space<semaphore_mem>>)
    } else {
    }
    %add3A_152 = arith.constant 0 : i32
    %add3A_153 = arith.addi %mul3A_2, %add3A_152 : i32
    %dma_wait3A = tpu.memref_slice %arg3[%add3A_153] : memref<320000xi32, #tpu.memory_space<hbm>> -> memref<128xi32, #tpu.memory_space<hbm>>
    %dma_wait3A_154 = tpu.memref_slice %arg3[%add3A_153] : memref<320000xi32, #tpu.memory_space<hbm>> -> memref<128xi32, #tpu.memory_space<hbm>>
    tpu.wait_dma2 semaphore(%arg21 : memref<!tpu.dma_semaphore, #tpu.memory_space<semaphore_mem>>) src(%dma_wait3A_154 : memref<128xi32, #tpu.memory_space<hbm>>) dst(%arg6 : memref<128xi32, #tpu.memory_space<vmem>>)
    %add3A_155 = arith.constant 0 : i32
    %add3A_156 = arith.addi %mul3A_2, %add3A_155 : i32
    %dma_wait3A_157 = tpu.memref_slice %arg4[%add3A_156] : memref<320000xi32, #tpu.memory_space<hbm>> -> memref<128xi32, #tpu.memory_space<hbm>>
    %dma_wait3A_158 = tpu.memref_slice %arg4[%add3A_156] : memref<320000xi32, #tpu.memory_space<hbm>> -> memref<128xi32, #tpu.memory_space<hbm>>
    tpu.wait_dma2 semaphore(%arg21 : memref<!tpu.dma_semaphore, #tpu.memory_space<semaphore_mem>>) src(%dma_wait3A_158 : memref<128xi32, #tpu.memory_space<hbm>>) dst(%arg10 : memref<128xi32, #tpu.memory_space<vmem>>)
    %dma_start3A_159 = arith.constant 0 : i32
    %dma_start3A_160 = arith.constant 0 : i32
    %dma_start3A_161 = tpu.memref_slice %arg2[%dma_start3A_159, %dma_start3A_160] : memref<10000x128xf32, #tpu.memory_space<hbm>> -> memref<10000x128xf32, #tpu.memory_space<hbm>>
    tpu.enqueue_indirect_dma source(%dma_start3A_161 : memref<10000x128xf32, #tpu.memory_space<hbm>>) target(%arg14 : memref<128x128xf32, #tpu.memory_space<vmem>>) offsets(%arg6 : memref<128xi32, #tpu.memory_space<vmem>>) semaphore(%arg25 : memref<!tpu.dma_semaphore, #tpu.memory_space<semaphore_mem>>)
    %mul3A_162 = arith.constant 624 : i32
    %mul3A_163 = arith.muli %arg1, %mul3A_162 : i32
    %add3A_164 = arith.constant 0 : i32
    %add3A_165 = arith.addi %mul3A_163, %add3A_164 : i32
    %dma_wait3A_166 = arith.constant 0 : i32
    %dma_wait3A_167 = tpu.memref_slice %arg20[%add3A_165, %dma_wait3A_166] : memref<10000x128xf32, #tpu.memory_space<vmem_shared>> -> memref<48x128xf32, #tpu.memory_space<vmem_shared>>
    %dma_wait3A_168 = arith.constant 0 : i32
    %dma_wait3A_169 = tpu.memref_slice %arg20[%add3A_165, %dma_wait3A_168] : memref<10000x128xf32, #tpu.memory_space<vmem_shared>> -> memref<48x128xf32, #tpu.memory_space<vmem_shared>>
    tpu.wait_dma2 semaphore(%arg30 : memref<!tpu.dma_semaphore, #tpu.memory_space<semaphore_mem>>) src(%arg19 : memref<48x128xf32, #tpu.memory_space<vmem>>) dst(%dma_wait3A_169 : memref<48x128xf32, #tpu.memory_space<vmem_shared>>)
    %mul3A_170 = arith.constant 624 : i32
    %mul3A_171 = arith.muli %arg1, %mul3A_170 : i32
    %add3A_172 = arith.constant 48 : i32
    %add3A_173 = arith.addi %mul3A_171, %add3A_172 : i32
    %dma_wait3A_174 = arith.constant 0 : i32
    %dma_wait3A_175 = tpu.memref_slice %arg20[%add3A_173, %dma_wait3A_174] : memref<10000x128xf32, #tpu.memory_space<vmem_shared>> -> memref<48x128xf32, #tpu.memory_space<vmem_shared>>
    %dma_wait3A_176 = arith.constant 0 : i32
    %dma_wait3A_177 = tpu.memref_slice %arg20[%add3A_173, %dma_wait3A_176] : memref<10000x128xf32, #tpu.memory_space<vmem_shared>> -> memref<48x128xf32, #tpu.memory_space<vmem_shared>>
    tpu.wait_dma2 semaphore(%arg30 : memref<!tpu.dma_semaphore, #tpu.memory_space<semaphore_mem>>) src(%arg19 : memref<48x128xf32, #tpu.memory_space<vmem>>) dst(%dma_wait3A_177 : memref<48x128xf32, #tpu.memory_space<vmem_shared>>)
    %mul3A_178 = arith.constant 624 : i32
    %mul3A_179 = arith.muli %arg1, %mul3A_178 : i32
    %add3A_180 = arith.constant 96 : i32
    %add3A_181 = arith.addi %mul3A_179, %add3A_180 : i32
    %dma_wait3A_182 = arith.constant 0 : i32
    %dma_wait3A_183 = tpu.memref_slice %arg20[%add3A_181, %dma_wait3A_182] : memref<10000x128xf32, #tpu.memory_space<vmem_shared>> -> memref<48x128xf32, #tpu.memory_space<vmem_shared>>
    %dma_wait3A_184 = arith.constant 0 : i32
    %dma_wait3A_185 = tpu.memref_slice %arg20[%add3A_181, %dma_wait3A_184] : memref<10000x128xf32, #tpu.memory_space<vmem_shared>> -> memref<48x128xf32, #tpu.memory_space<vmem_shared>>
    tpu.wait_dma2 semaphore(%arg30 : memref<!tpu.dma_semaphore, #tpu.memory_space<semaphore_mem>>) src(%arg19 : memref<48x128xf32, #tpu.memory_space<vmem>>) dst(%dma_wait3A_185 : memref<48x128xf32, #tpu.memory_space<vmem_shared>>)
    %mul3A_186 = arith.constant 624 : i32
    %mul3A_187 = arith.muli %arg1, %mul3A_186 : i32
    %add3A_188 = arith.constant 144 : i32
    %add3A_189 = arith.addi %mul3A_187, %add3A_188 : i32
    %dma_wait3A_190 = arith.constant 0 : i32
    %dma_wait3A_191 = tpu.memref_slice %arg20[%add3A_189, %dma_wait3A_190] : memref<10000x128xf32, #tpu.memory_space<vmem_shared>> -> memref<48x128xf32, #tpu.memory_space<vmem_shared>>
    %dma_wait3A_192 = arith.constant 0 : i32
    %dma_wait3A_193 = tpu.memref_slice %arg20[%add3A_189, %dma_wait3A_192] : memref<10000x128xf32, #tpu.memory_space<vmem_shared>> -> memref<48x128xf32, #tpu.memory_space<vmem_shared>>
    tpu.wait_dma2 semaphore(%arg30 : memref<!tpu.dma_semaphore, #tpu.memory_space<semaphore_mem>>) src(%arg19 : memref<48x128xf32, #tpu.memory_space<vmem>>) dst(%dma_wait3A_193 : memref<48x128xf32, #tpu.memory_space<vmem_shared>>)
    %mul3A_194 = arith.constant 624 : i32
    %mul3A_195 = arith.muli %arg1, %mul3A_194 : i32
    %add3A_196 = arith.constant 192 : i32
    %add3A_197 = arith.addi %mul3A_195, %add3A_196 : i32
    %dma_wait3A_198 = arith.constant 0 : i32
    %dma_wait3A_199 = tpu.memref_slice %arg20[%add3A_197, %dma_wait3A_198] : memref<10000x128xf32, #tpu.memory_space<vmem_shared>> -> memref<48x128xf32, #tpu.memory_space<vmem_shared>>
    %dma_wait3A_200 = arith.constant 0 : i32
    %dma_wait3A_201 = tpu.memref_slice %arg20[%add3A_197, %dma_wait3A_200] : memref<10000x128xf32, #tpu.memory_space<vmem_shared>> -> memref<48x128xf32, #tpu.memory_space<vmem_shared>>
    tpu.wait_dma2 semaphore(%arg30 : memref<!tpu.dma_semaphore, #tpu.memory_space<semaphore_mem>>) src(%arg19 : memref<48x128xf32, #tpu.memory_space<vmem>>) dst(%dma_wait3A_201 : memref<48x128xf32, #tpu.memory_space<vmem_shared>>)
    %mul3A_202 = arith.constant 624 : i32
    %mul3A_203 = arith.muli %arg1, %mul3A_202 : i32
    %add3A_204 = arith.constant 240 : i32
    %add3A_205 = arith.addi %mul3A_203, %add3A_204 : i32
    %dma_wait3A_206 = arith.constant 0 : i32
    %dma_wait3A_207 = tpu.memref_slice %arg20[%add3A_205, %dma_wait3A_206] : memref<10000x128xf32, #tpu.memory_space<vmem_shared>> -> memref<48x128xf32, #tpu.memory_space<vmem_shared>>
    %dma_wait3A_208 = arith.constant 0 : i32
    %dma_wait3A_209 = tpu.memref_slice %arg20[%add3A_205, %dma_wait3A_208] : memref<10000x128xf32, #tpu.memory_space<vmem_shared>> -> memref<48x128xf32, #tpu.memory_space<vmem_shared>>
    tpu.wait_dma2 semaphore(%arg30 : memref<!tpu.dma_semaphore, #tpu.memory_space<semaphore_mem>>) src(%arg19 : memref<48x128xf32, #tpu.memory_space<vmem>>) dst(%dma_wait3A_209 : memref<48x128xf32, #tpu.memory_space<vmem_shared>>)
    %mul3A_210 = arith.constant 624 : i32
    %mul3A_211 = arith.muli %arg1, %mul3A_210 : i32
    %add3A_212 = arith.constant 288 : i32
    %add3A_213 = arith.addi %mul3A_211, %add3A_212 : i32
    %dma_wait3A_214 = arith.constant 0 : i32
    %dma_wait3A_215 = tpu.memref_slice %arg20[%add3A_213, %dma_wait3A_214] : memref<10000x128xf32, #tpu.memory_space<vmem_shared>> -> memref<48x128xf32, #tpu.memory_space<vmem_shared>>
    %dma_wait3A_216 = arith.constant 0 : i32
    %dma_wait3A_217 = tpu.memref_slice %arg20[%add3A_213, %dma_wait3A_216] : memref<10000x128xf32, #tpu.memory_space<vmem_shared>> -> memref<48x128xf32, #tpu.memory_space<vmem_shared>>
    tpu.wait_dma2 semaphore(%arg30 : memref<!tpu.dma_semaphore, #tpu.memory_space<semaphore_mem>>) src(%arg19 : memref<48x128xf32, #tpu.memory_space<vmem>>) dst(%dma_wait3A_217 : memref<48x128xf32, #tpu.memory_space<vmem_shared>>)
    %mul3A_218 = arith.constant 624 : i32
    %mul3A_219 = arith.muli %arg1, %mul3A_218 : i32
    %add3A_220 = arith.constant 336 : i32
    %add3A_221 = arith.addi %mul3A_219, %add3A_220 : i32
    %dma_wait3A_222 = arith.constant 0 : i32
    %dma_wait3A_223 = tpu.memref_slice %arg20[%add3A_221, %dma_wait3A_222] : memref<10000x128xf32, #tpu.memory_space<vmem_shared>> -> memref<48x128xf32, #tpu.memory_space<vmem_shared>>
    %dma_wait3A_224 = arith.constant 0 : i32
    %dma_wait3A_225 = tpu.memref_slice %arg20[%add3A_221, %dma_wait3A_224] : memref<10000x128xf32, #tpu.memory_space<vmem_shared>> -> memref<48x128xf32, #tpu.memory_space<vmem_shared>>
    tpu.wait_dma2 semaphore(%arg30 : memref<!tpu.dma_semaphore, #tpu.memory_space<semaphore_mem>>) src(%arg19 : memref<48x128xf32, #tpu.memory_space<vmem>>) dst(%dma_wait3A_225 : memref<48x128xf32, #tpu.memory_space<vmem_shared>>)
    %mul3A_226 = arith.constant 624 : i32
    %mul3A_227 = arith.muli %arg1, %mul3A_226 : i32
    %add3A_228 = arith.constant 384 : i32
    %add3A_229 = arith.addi %mul3A_227, %add3A_228 : i32
    %dma_wait3A_230 = arith.constant 0 : i32
    %dma_wait3A_231 = tpu.memref_slice %arg20[%add3A_229, %dma_wait3A_230] : memref<10000x128xf32, #tpu.memory_space<vmem_shared>> -> memref<48x128xf32, #tpu.memory_space<vmem_shared>>
    %dma_wait3A_232 = arith.constant 0 : i32
    %dma_wait3A_233 = tpu.memref_slice %arg20[%add3A_229, %dma_wait3A_232] : memref<10000x128xf32, #tpu.memory_space<vmem_shared>> -> memref<48x128xf32, #tpu.memory_space<vmem_shared>>
    tpu.wait_dma2 semaphore(%arg30 : memref<!tpu.dma_semaphore, #tpu.memory_space<semaphore_mem>>) src(%arg19 : memref<48x128xf32, #tpu.memory_space<vmem>>) dst(%dma_wait3A_233 : memref<48x128xf32, #tpu.memory_space<vmem_shared>>)
    %mul3A_234 = arith.constant 624 : i32
    %mul3A_235 = arith.muli %arg1, %mul3A_234 : i32
    %add3A_236 = arith.constant 432 : i32
    %add3A_237 = arith.addi %mul3A_235, %add3A_236 : i32
    %dma_wait3A_238 = arith.constant 0 : i32
    %dma_wait3A_239 = tpu.memref_slice %arg20[%add3A_237, %dma_wait3A_238] : memref<10000x128xf32, #tpu.memory_space<vmem_shared>> -> memref<48x128xf32, #tpu.memory_space<vmem_shared>>
    %dma_wait3A_240 = arith.constant 0 : i32
    %dma_wait3A_241 = tpu.memref_slice %arg20[%add3A_237, %dma_wait3A_240] : memref<10000x128xf32, #tpu.memory_space<vmem_shared>> -> memref<48x128xf32, #tpu.memory_space<vmem_shared>>
    tpu.wait_dma2 semaphore(%arg30 : memref<!tpu.dma_semaphore, #tpu.memory_space<semaphore_mem>>) src(%arg19 : memref<48x128xf32, #tpu.memory_space<vmem>>) dst(%dma_wait3A_241 : memref<48x128xf32, #tpu.memory_space<vmem_shared>>)
    %mul3A_242 = arith.constant 624 : i32
    %mul3A_243 = arith.muli %arg1, %mul3A_242 : i32
    %add3A_244 = arith.constant 480 : i32
    %add3A_245 = arith.addi %mul3A_243, %add3A_244 : i32
    %dma_wait3A_246 = arith.constant 0 : i32
    %dma_wait3A_247 = tpu.memref_slice %arg20[%add3A_245, %dma_wait3A_246] : memref<10000x128xf32, #tpu.memory_space<vmem_shared>> -> memref<48x128xf32, #tpu.memory_space<vmem_shared>>
    %dma_wait3A_248 = arith.constant 0 : i32
    %dma_wait3A_249 = tpu.memref_slice %arg20[%add3A_245, %dma_wait3A_248] : memref<10000x128xf32, #tpu.memory_space<vmem_shared>> -> memref<48x128xf32, #tpu.memory_space<vmem_shared>>
    tpu.wait_dma2 semaphore(%arg30 : memref<!tpu.dma_semaphore, #tpu.memory_space<semaphore_mem>>) src(%arg19 : memref<48x128xf32, #tpu.memory_space<vmem>>) dst(%dma_wait3A_249 : memref<48x128xf32, #tpu.memory_space<vmem_shared>>)
    %mul3A_250 = arith.constant 624 : i32
    %mul3A_251 = arith.muli %arg1, %mul3A_250 : i32
    %add3A_252 = arith.constant 528 : i32
    %add3A_253 = arith.addi %mul3A_251, %add3A_252 : i32
    %dma_wait3A_254 = arith.constant 0 : i32
    %dma_wait3A_255 = tpu.memref_slice %arg20[%add3A_253, %dma_wait3A_254] : memref<10000x128xf32, #tpu.memory_space<vmem_shared>> -> memref<48x128xf32, #tpu.memory_space<vmem_shared>>
    %dma_wait3A_256 = arith.constant 0 : i32
    %dma_wait3A_257 = tpu.memref_slice %arg20[%add3A_253, %dma_wait3A_256] : memref<10000x128xf32, #tpu.memory_space<vmem_shared>> -> memref<48x128xf32, #tpu.memory_space<vmem_shared>>
    tpu.wait_dma2 semaphore(%arg30 : memref<!tpu.dma_semaphore, #tpu.memory_space<semaphore_mem>>) src(%arg19 : memref<48x128xf32, #tpu.memory_space<vmem>>) dst(%dma_wait3A_257 : memref<48x128xf32, #tpu.memory_space<vmem_shared>>)
    %mul3A_258 = arith.constant 624 : i32
    %mul3A_259 = arith.muli %arg1, %mul3A_258 : i32
    %add3A_260 = arith.constant 576 : i32
    %add3A_261 = arith.addi %mul3A_259, %add3A_260 : i32
    %dma_wait3A_262 = arith.constant 0 : i32
    %dma_wait3A_263 = tpu.memref_slice %arg20[%add3A_261, %dma_wait3A_262] : memref<10000x128xf32, #tpu.memory_space<vmem_shared>> -> memref<48x128xf32, #tpu.memory_space<vmem_shared>>
    %dma_wait3A_264 = arith.constant 0 : i32
    %dma_wait3A_265 = tpu.memref_slice %arg20[%add3A_261, %dma_wait3A_264] : memref<10000x128xf32, #tpu.memory_space<vmem_shared>> -> memref<48x128xf32, #tpu.memory_space<vmem_shared>>
    tpu.wait_dma2 semaphore(%arg30 : memref<!tpu.dma_semaphore, #tpu.memory_space<semaphore_mem>>) src(%arg19 : memref<48x128xf32, #tpu.memory_space<vmem>>) dst(%dma_wait3A_265 : memref<48x128xf32, #tpu.memory_space<vmem_shared>>)
    %eq3A_266 = arith.constant 15 : i32
    %eq3A_267 = arith.cmpi eq, %arg1, %eq3A_266 : i32
    %convert_element_type3A_268 = arith.extui %eq3A_267 : i1 to i32
    %cond3A_269 = arith.constant 0 : i32
    %cond3A_270 = arith.cmpi ne, %convert_element_type3A_268, %cond3A_269 : i32
    scf.if %cond3A_270 {
      %dma_wait3A_435 = arith.constant 0 : i32
      %dma_wait3A_436 = arith.constant 0 : i32
      %dma_wait3A_437 = tpu.memref_slice %arg19[%dma_wait3A_435, %dma_wait3A_436] : memref<48x128xf32, #tpu.memory_space<vmem>> -> memref<16x128xf32, #tpu.memory_space<vmem>>
      %dma_wait3A_438 = arith.constant 9984 : i32
      %dma_wait3A_439 = arith.constant 0 : i32
      %dma_wait3A_440 = tpu.memref_slice %arg20[%dma_wait3A_438, %dma_wait3A_439] : memref<10000x128xf32, #tpu.memory_space<vmem_shared>> -> memref<16x128xf32, #tpu.memory_space<vmem_shared>>
      %dma_wait3A_441 = arith.constant 9984 : i32
      %dma_wait3A_442 = arith.constant 0 : i32
      %dma_wait3A_443 = tpu.memref_slice %arg20[%dma_wait3A_441, %dma_wait3A_442] : memref<10000x128xf32, #tpu.memory_space<vmem_shared>> -> memref<16x128xf32, #tpu.memory_space<vmem_shared>>
      %dma_wait3A_444 = arith.constant 0 : i32
      %dma_wait3A_445 = arith.constant 0 : i32
      %dma_wait3A_446 = tpu.memref_slice %arg19[%dma_wait3A_444, %dma_wait3A_445] : memref<48x128xf32, #tpu.memory_space<vmem>> -> memref<16x128xf32, #tpu.memory_space<vmem>>
      tpu.wait_dma2 semaphore(%arg30 : memref<!tpu.dma_semaphore, #tpu.memory_space<semaphore_mem>>) src(%dma_wait3A_446 : memref<16x128xf32, #tpu.memory_space<vmem>>) dst(%dma_wait3A_443 : memref<16x128xf32, #tpu.memory_space<vmem_shared>>)
    } else {
    }
    %barrier3A = arith.constant 0 : index
    tpu.barrier barrier_id(%barrier3A)
    %add3A_271 = arith.constant 128 : i32
    %add3A_272 = arith.addi %mul3A_2, %add3A_271 : i32
    %dma_wait3A_273 = tpu.memref_slice %arg3[%add3A_272] : memref<320000xi32, #tpu.memory_space<hbm>> -> memref<128xi32, #tpu.memory_space<hbm>>
    %dma_wait3A_274 = tpu.memref_slice %arg3[%add3A_272] : memref<320000xi32, #tpu.memory_space<hbm>> -> memref<128xi32, #tpu.memory_space<hbm>>
    tpu.wait_dma2 semaphore(%arg22 : memref<!tpu.dma_semaphore, #tpu.memory_space<semaphore_mem>>) src(%dma_wait3A_274 : memref<128xi32, #tpu.memory_space<hbm>>) dst(%arg7 : memref<128xi32, #tpu.memory_space<vmem>>)
    %add3A_275 = arith.constant 128 : i32
    %add3A_276 = arith.addi %mul3A_2, %add3A_275 : i32
    %dma_wait3A_277 = tpu.memref_slice %arg4[%add3A_276] : memref<320000xi32, #tpu.memory_space<hbm>> -> memref<128xi32, #tpu.memory_space<hbm>>
    %dma_wait3A_278 = tpu.memref_slice %arg4[%add3A_276] : memref<320000xi32, #tpu.memory_space<hbm>> -> memref<128xi32, #tpu.memory_space<hbm>>
    tpu.wait_dma2 semaphore(%arg22 : memref<!tpu.dma_semaphore, #tpu.memory_space<semaphore_mem>>) src(%dma_wait3A_278 : memref<128xi32, #tpu.memory_space<hbm>>) dst(%arg11 : memref<128xi32, #tpu.memory_space<vmem>>)
    %dma_start3A_279 = arith.constant 0 : i32
    %dma_start3A_280 = arith.constant 0 : i32
    %dma_start3A_281 = tpu.memref_slice %arg2[%dma_start3A_279, %dma_start3A_280] : memref<10000x128xf32, #tpu.memory_space<hbm>> -> memref<10000x128xf32, #tpu.memory_space<hbm>>
    tpu.enqueue_indirect_dma source(%dma_start3A_281 : memref<10000x128xf32, #tpu.memory_space<hbm>>) target(%arg15 : memref<128x128xf32, #tpu.memory_space<vmem>>) offsets(%arg7 : memref<128xi32, #tpu.memory_space<vmem>>) semaphore(%arg26 : memref<!tpu.dma_semaphore, #tpu.memory_space<semaphore_mem>>)
    %dma_wait3A_282 = arith.constant 0 : i32
    %dma_wait3A_283 = arith.constant 0 : i32
    %dma_wait3A_284 = tpu.memref_slice %arg2[%dma_wait3A_282, %dma_wait3A_283] : memref<10000x128xf32, #tpu.memory_space<hbm>> -> memref<10000x128xf32, #tpu.memory_space<hbm>>
    tpu.wait_indirect_dma semaphore(%arg25 : memref<!tpu.dma_semaphore, #tpu.memory_space<semaphore_mem>>) src(%dma_wait3A_284 : memref<10000x128xf32, #tpu.memory_space<hbm>>) dst(%arg14 : memref<128x128xf32, #tpu.memory_space<vmem>>)
    %dma_start3A_285 = arith.constant 0 : i32
    %dma_start3A_286 = arith.constant 0 : i32
    %dma_start3A_287 = tpu.memref_slice %arg20[%dma_start3A_285, %dma_start3A_286] : memref<10000x128xf32, #tpu.memory_space<vmem_shared>> -> memref<10000x128xf32, #tpu.memory_space<vmem_shared>>
    tpu.enqueue_indirect_dma source(%arg14 : memref<128x128xf32, #tpu.memory_space<vmem>>) target(%dma_start3A_287 : memref<10000x128xf32, #tpu.memory_space<vmem_shared>>) offsets(%arg10 : memref<128xi32, #tpu.memory_space<vmem>>) semaphore(%arg27 : memref<!tpu.dma_semaphore, #tpu.memory_space<semaphore_mem>>) {add = true}
    %scan3A_288 = arith.constant 0 : i32
    %scan3A_289 = arith.constant 0 : i32
    %scan3A_290 = arith.constant 18 : i32
    %scan3A_291 = arith.addi %scan3A_289, %scan3A_290 : i32
    %scan3A_292 = arith.constant 1 : i32
    %scan3A_293 = scf.for %scan3A_435 = %scan3A_289 to %scan3A_291 step %scan3A_292 iter_args(%scan3A_436 = %scan3A_288) -> (i32)  : i32 {
      %mul3A_437 = arith.constant 4 : i32
      %mul3A_438 = arith.muli %scan3A_435, %mul3A_437 : i32
      %add3A_439 = arith.constant 0 : i32
      %add3A_440 = arith.addi %mul3A_438, %add3A_439 : i32
      %add3A_441 = arith.constant 1 : i32
      %add3A_442 = arith.addi %add3A_440, %add3A_441 : i32
      %add3A_443 = arith.constant 1 : i32
      %add3A_444 = arith.addi %add3A_442, %add3A_443 : i32
      %mul3A_445 = arith.constant 128 : i32
      %mul3A_446 = arith.muli %add3A_444, %mul3A_445 : i32
      %add3A_447 = arith.addi %mul3A_2, %mul3A_446 : i32
      %dma_wait3A_448 = tpu.memref_slice %arg3[%add3A_447] : memref<320000xi32, #tpu.memory_space<hbm>> -> memref<128xi32, #tpu.memory_space<hbm>>
      %dma_wait3A_449 = tpu.memref_slice %arg3[%add3A_447] : memref<320000xi32, #tpu.memory_space<hbm>> -> memref<128xi32, #tpu.memory_space<hbm>>
      tpu.wait_dma2 semaphore(%arg23 : memref<!tpu.dma_semaphore, #tpu.memory_space<semaphore_mem>>) src(%dma_wait3A_449 : memref<128xi32, #tpu.memory_space<hbm>>) dst(%arg8 : memref<128xi32, #tpu.memory_space<vmem>>)
      %mul3A_450 = arith.constant 128 : i32
      %mul3A_451 = arith.muli %add3A_444, %mul3A_450 : i32
      %add3A_452 = arith.addi %mul3A_2, %mul3A_451 : i32
      %dma_wait3A_453 = tpu.memref_slice %arg4[%add3A_452] : memref<320000xi32, #tpu.memory_space<hbm>> -> memref<128xi32, #tpu.memory_space<hbm>>
      %dma_wait3A_454 = tpu.memref_slice %arg4[%add3A_452] : memref<320000xi32, #tpu.memory_space<hbm>> -> memref<128xi32, #tpu.memory_space<hbm>>
      tpu.wait_dma2 semaphore(%arg23 : memref<!tpu.dma_semaphore, #tpu.memory_space<semaphore_mem>>) src(%dma_wait3A_454 : memref<128xi32, #tpu.memory_space<hbm>>) dst(%arg12 : memref<128xi32, #tpu.memory_space<vmem>>)
      %dma_wait3A_455 = arith.constant 0 : i32
      %dma_wait3A_456 = arith.constant 0 : i32
      %dma_wait3A_457 = tpu.memref_slice %arg20[%dma_wait3A_455, %dma_wait3A_456] : memref<10000x128xf32, #tpu.memory_space<vmem_shared>> -> memref<10000x128xf32, #tpu.memory_space<vmem_shared>>
      tpu.wait_indirect_dma semaphore(%arg27 : memref<!tpu.dma_semaphore, #tpu.memory_space<semaphore_mem>>) src(%arg14 : memref<128x128xf32, #tpu.memory_space<vmem>>) dst(%dma_wait3A_457 : memref<10000x128xf32, #tpu.memory_space<vmem_shared>>)
      %dma_start3A_458 = arith.constant 0 : i32
      %dma_start3A_459 = arith.constant 0 : i32
      %dma_start3A_460 = tpu.memref_slice %arg2[%dma_start3A_458, %dma_start3A_459] : memref<10000x128xf32, #tpu.memory_space<hbm>> -> memref<10000x128xf32, #tpu.memory_space<hbm>>
      tpu.enqueue_indirect_dma source(%dma_start3A_460 : memref<10000x128xf32, #tpu.memory_space<hbm>>) target(%arg14 : memref<128x128xf32, #tpu.memory_space<vmem>>) offsets(%arg8 : memref<128xi32, #tpu.memory_space<vmem>>) semaphore(%arg25 : memref<!tpu.dma_semaphore, #tpu.memory_space<semaphore_mem>>)
      %dma_wait3A_461 = arith.constant 0 : i32
      %dma_wait3A_462 = arith.constant 0 : i32
      %dma_wait3A_463 = tpu.memref_slice %arg2[%dma_wait3A_461, %dma_wait3A_462] : memref<10000x128xf32, #tpu.memory_space<hbm>> -> memref<10000x128xf32, #tpu.memory_space<hbm>>
      tpu.wait_indirect_dma semaphore(%arg26 : memref<!tpu.dma_semaphore, #tpu.memory_space<semaphore_mem>>) src(%dma_wait3A_463 : memref<10000x128xf32, #tpu.memory_space<hbm>>) dst(%arg15 : memref<128x128xf32, #tpu.memory_space<vmem>>)
      %dma_start3A_464 = arith.constant 0 : i32
      %dma_start3A_465 = arith.constant 0 : i32
      %dma_start3A_466 = tpu.memref_slice %arg20[%dma_start3A_464, %dma_start3A_465] : memref<10000x128xf32, #tpu.memory_space<vmem_shared>> -> memref<10000x128xf32, #tpu.memory_space<vmem_shared>>
      tpu.enqueue_indirect_dma source(%arg15 : memref<128x128xf32, #tpu.memory_space<vmem>>) target(%dma_start3A_466 : memref<10000x128xf32, #tpu.memory_space<vmem_shared>>) offsets(%arg11 : memref<128xi32, #tpu.memory_space<vmem>>) semaphore(%arg28 : memref<!tpu.dma_semaphore, #tpu.memory_space<semaphore_mem>>) {add = true}
      %add3A_467 = arith.constant 3 : i32
      %add3A_468 = arith.addi %add3A_442, %add3A_467 : i32
      %mul3A_469 = arith.constant 128 : i32
      %mul3A_470 = arith.muli %add3A_468, %mul3A_469 : i32
      %add3A_471 = arith.addi %mul3A_2, %mul3A_470 : i32
      %dma_start3A_472 = tpu.memref_slice %arg3[%add3A_471] : memref<320000xi32, #tpu.memory_space<hbm>> -> memref<128xi32, #tpu.memory_space<hbm>>
      %dma_start3A_473 = tpu.memref_slice %arg3[%add3A_471] : memref<320000xi32, #tpu.memory_space<hbm>> -> memref<128xi32, #tpu.memory_space<hbm>>
      tpu.enqueue_dma source(%dma_start3A_473 : memref<128xi32, #tpu.memory_space<hbm>>) target(%arg6 : memref<128xi32, #tpu.memory_space<vmem>>) target_semaphore(%arg21 : memref<!tpu.dma_semaphore, #tpu.memory_space<semaphore_mem>>)
      %mul3A_474 = arith.constant 128 : i32
      %mul3A_475 = arith.muli %add3A_468, %mul3A_474 : i32
      %add3A_476 = arith.addi %mul3A_2, %mul3A_475 : i32
      %dma_start3A_477 = tpu.memref_slice %arg4[%add3A_476] : memref<320000xi32, #tpu.memory_space<hbm>> -> memref<128xi32, #tpu.memory_space<hbm>>
      %dma_start3A_478 = tpu.memref_slice %arg4[%add3A_476] : memref<320000xi32, #tpu.memory_space<hbm>> -> memref<128xi32, #tpu.memory_space<hbm>>
      tpu.enqueue_dma source(%dma_start3A_478 : memref<128xi32, #tpu.memory_space<hbm>>) target(%arg10 : memref<128xi32, #tpu.memory_space<vmem>>) target_semaphore(%arg21 : memref<!tpu.dma_semaphore, #tpu.memory_space<semaphore_mem>>)
      %mul3A_479 = arith.constant 4 : i32
      %mul3A_480 = arith.muli %scan3A_435, %mul3A_479 : i32
      %add3A_481 = arith.constant 1 : i32
      %add3A_482 = arith.addi %mul3A_480, %add3A_481 : i32
      %add3A_483 = arith.constant 1 : i32
      %add3A_484 = arith.addi %add3A_482, %add3A_483 : i32
      %add3A_485 = arith.constant 1 : i32
      %add3A_486 = arith.addi %add3A_484, %add3A_485 : i32
      %mul3A_487 = arith.constant 128 : i32
      %mul3A_488 = arith.muli %add3A_486, %mul3A_487 : i32
      %add3A_489 = arith.addi %mul3A_2, %mul3A_488 : i32
      %dma_wait3A_490 = tpu.memref_slice %arg3[%add3A_489] : memref<320000xi32, #tpu.memory_space<hbm>> -> memref<128xi32, #tpu.memory_space<hbm>>
      %dma_wait3A_491 = tpu.memref_slice %arg3[%add3A_489] : memref<320000xi32, #tpu.memory_space<hbm>> -> memref<128xi32, #tpu.memory_space<hbm>>
      tpu.wait_dma2 semaphore(%arg24 : memref<!tpu.dma_semaphore, #tpu.memory_space<semaphore_mem>>) src(%dma_wait3A_491 : memref<128xi32, #tpu.memory_space<hbm>>) dst(%arg9 : memref<128xi32, #tpu.memory_space<vmem>>)
      %mul3A_492 = arith.constant 128 : i32
      %mul3A_493 = arith.muli %add3A_486, %mul3A_492 : i32
      %add3A_494 = arith.addi %mul3A_2, %mul3A_493 : i32
      %dma_wait3A_495 = tpu.memref_slice %arg4[%add3A_494] : memref<320000xi32, #tpu.memory_space<hbm>> -> memref<128xi32, #tpu.memory_space<hbm>>
      %dma_wait3A_496 = tpu.memref_slice %arg4[%add3A_494] : memref<320000xi32, #tpu.memory_space<hbm>> -> memref<128xi32, #tpu.memory_space<hbm>>
      tpu.wait_dma2 semaphore(%arg24 : memref<!tpu.dma_semaphore, #tpu.memory_space<semaphore_mem>>) src(%dma_wait3A_496 : memref<128xi32, #tpu.memory_space<hbm>>) dst(%arg13 : memref<128xi32, #tpu.memory_space<vmem>>)
      %dma_wait3A_497 = arith.constant 0 : i32
      %dma_wait3A_498 = arith.constant 0 : i32
      %dma_wait3A_499 = tpu.memref_slice %arg20[%dma_wait3A_497, %dma_wait3A_498] : memref<10000x128xf32, #tpu.memory_space<vmem_shared>> -> memref<10000x128xf32, #tpu.memory_space<vmem_shared>>
      tpu.wait_indirect_dma semaphore(%arg28 : memref<!tpu.dma_semaphore, #tpu.memory_space<semaphore_mem>>) src(%arg15 : memref<128x128xf32, #tpu.memory_space<vmem>>) dst(%dma_wait3A_499 : memref<10000x128xf32, #tpu.memory_space<vmem_shared>>)
      %dma_start3A_500 = arith.constant 0 : i32
      %dma_start3A_501 = arith.constant 0 : i32
      %dma_start3A_502 = tpu.memref_slice %arg2[%dma_start3A_500, %dma_start3A_501] : memref<10000x128xf32, #tpu.memory_space<hbm>> -> memref<10000x128xf32, #tpu.memory_space<hbm>>
      tpu.enqueue_indirect_dma source(%dma_start3A_502 : memref<10000x128xf32, #tpu.memory_space<hbm>>) target(%arg15 : memref<128x128xf32, #tpu.memory_space<vmem>>) offsets(%arg9 : memref<128xi32, #tpu.memory_space<vmem>>) semaphore(%arg26 : memref<!tpu.dma_semaphore, #tpu.memory_space<semaphore_mem>>)
      %dma_wait3A_503 = arith.constant 0 : i32
      %dma_wait3A_504 = arith.constant 0 : i32
      %dma_wait3A_505 = tpu.memref_slice %arg2[%dma_wait3A_503, %dma_wait3A_504] : memref<10000x128xf32, #tpu.memory_space<hbm>> -> memref<10000x128xf32, #tpu.memory_space<hbm>>
      tpu.wait_indirect_dma semaphore(%arg25 : memref<!tpu.dma_semaphore, #tpu.memory_space<semaphore_mem>>) src(%dma_wait3A_505 : memref<10000x128xf32, #tpu.memory_space<hbm>>) dst(%arg14 : memref<128x128xf32, #tpu.memory_space<vmem>>)
      %dma_start3A_506 = arith.constant 0 : i32
      %dma_start3A_507 = arith.constant 0 : i32
      %dma_start3A_508 = tpu.memref_slice %arg20[%dma_start3A_506, %dma_start3A_507] : memref<10000x128xf32, #tpu.memory_space<vmem_shared>> -> memref<10000x128xf32, #tpu.memory_space<vmem_shared>>
      tpu.enqueue_indirect_dma source(%arg14 : memref<128x128xf32, #tpu.memory_space<vmem>>) target(%dma_start3A_508 : memref<10000x128xf32, #tpu.memory_space<vmem_shared>>) offsets(%arg12 : memref<128xi32, #tpu.memory_space<vmem>>) semaphore(%arg27 : memref<!tpu.dma_semaphore, #tpu.memory_space<semaphore_mem>>) {add = true}
      %add3A_509 = arith.constant 3 : i32
      %add3A_510 = arith.addi %add3A_484, %add3A_509 : i32
      %mul3A_511 = arith.constant 128 : i32
      %mul3A_512 = arith.muli %add3A_510, %mul3A_511 : i32
      %add3A_513 = arith.addi %mul3A_2, %mul3A_512 : i32
      %dma_start3A_514 = tpu.memref_slice %arg3[%add3A_513] : memref<320000xi32, #tpu.memory_space<hbm>> -> memref<128xi32, #tpu.memory_space<hbm>>
      %dma_start3A_515 = tpu.memref_slice %arg3[%add3A_513] : memref<320000xi32, #tpu.memory_space<hbm>> -> memref<128xi32, #tpu.memory_space<hbm>>
      tpu.enqueue_dma source(%dma_start3A_515 : memref<128xi32, #tpu.memory_space<hbm>>) target(%arg7 : memref<128xi32, #tpu.memory_space<vmem>>) target_semaphore(%arg22 : memref<!tpu.dma_semaphore, #tpu.memory_space<semaphore_mem>>)
      %mul3A_516 = arith.constant 128 : i32
      %mul3A_517 = arith.muli %add3A_510, %mul3A_516 : i32
      %add3A_518 = arith.addi %mul3A_2, %mul3A_517 : i32
      %dma_start3A_519 = tpu.memref_slice %arg4[%add3A_518] : memref<320000xi32, #tpu.memory_space<hbm>> -> memref<128xi32, #tpu.memory_space<hbm>>
      %dma_start3A_520 = tpu.memref_slice %arg4[%add3A_518] : memref<320000xi32, #tpu.memory_space<hbm>> -> memref<128xi32, #tpu.memory_space<hbm>>
      tpu.enqueue_dma source(%dma_start3A_520 : memref<128xi32, #tpu.memory_space<hbm>>) target(%arg11 : memref<128xi32, #tpu.memory_space<vmem>>) target_semaphore(%arg22 : memref<!tpu.dma_semaphore, #tpu.memory_space<semaphore_mem>>)
      %mul3A_521 = arith.constant 4 : i32
      %mul3A_522 = arith.muli %scan3A_435, %mul3A_521 : i32
      %add3A_523 = arith.constant 2 : i32
      %add3A_524 = arith.addi %mul3A_522, %add3A_523 : i32
      %add3A_525 = arith.constant 1 : i32
      %add3A_526 = arith.addi %add3A_524, %add3A_525 : i32
      %add3A_527 = arith.constant 1 : i32
      %add3A_528 = arith.addi %add3A_526, %add3A_527 : i32
      %mul3A_529 = arith.constant 128 : i32
      %mul3A_530 = arith.muli %add3A_528, %mul3A_529 : i32
      %add3A_531 = arith.addi %mul3A_2, %mul3A_530 : i32
      %dma_wait3A_532 = tpu.memref_slice %arg3[%add3A_531] : memref<320000xi32, #tpu.memory_space<hbm>> -> memref<128xi32, #tpu.memory_space<hbm>>
      %dma_wait3A_533 = tpu.memref_slice %arg3[%add3A_531] : memref<320000xi32, #tpu.memory_space<hbm>> -> memref<128xi32, #tpu.memory_space<hbm>>
      tpu.wait_dma2 semaphore(%arg21 : memref<!tpu.dma_semaphore, #tpu.memory_space<semaphore_mem>>) src(%dma_wait3A_533 : memref<128xi32, #tpu.memory_space<hbm>>) dst(%arg6 : memref<128xi32, #tpu.memory_space<vmem>>)
      %mul3A_534 = arith.constant 128 : i32
      %mul3A_535 = arith.muli %add3A_528, %mul3A_534 : i32
      %add3A_536 = arith.addi %mul3A_2, %mul3A_535 : i32
      %dma_wait3A_537 = tpu.memref_slice %arg4[%add3A_536] : memref<320000xi32, #tpu.memory_space<hbm>> -> memref<128xi32, #tpu.memory_space<hbm>>
      %dma_wait3A_538 = tpu.memref_slice %arg4[%add3A_536] : memref<320000xi32, #tpu.memory_space<hbm>> -> memref<128xi32, #tpu.memory_space<hbm>>
      tpu.wait_dma2 semaphore(%arg21 : memref<!tpu.dma_semaphore, #tpu.memory_space<semaphore_mem>>) src(%dma_wait3A_538 : memref<128xi32, #tpu.memory_space<hbm>>) dst(%arg10 : memref<128xi32, #tpu.memory_space<vmem>>)
      %dma_wait3A_539 = arith.constant 0 : i32
      %dma_wait3A_540 = arith.constant 0 : i32
      %dma_wait3A_541 = tpu.memref_slice %arg20[%dma_wait3A_539, %dma_wait3A_540] : memref<10000x128xf32, #tpu.memory_space<vmem_shared>> -> memref<10000x128xf32, #tpu.memory_space<vmem_shared>>
      tpu.wait_indirect_dma semaphore(%arg27 : memref<!tpu.dma_semaphore, #tpu.memory_space<semaphore_mem>>) src(%arg14 : memref<128x128xf32, #tpu.memory_space<vmem>>) dst(%dma_wait3A_541 : memref<10000x128xf32, #tpu.memory_space<vmem_shared>>)
      %dma_start3A_542 = arith.constant 0 : i32
      %dma_start3A_543 = arith.constant 0 : i32
      %dma_start3A_544 = tpu.memref_slice %arg2[%dma_start3A_542, %dma_start3A_543] : memref<10000x128xf32, #tpu.memory_space<hbm>> -> memref<10000x128xf32, #tpu.memory_space<hbm>>
      tpu.enqueue_indirect_dma source(%dma_start3A_544 : memref<10000x128xf32, #tpu.memory_space<hbm>>) target(%arg14 : memref<128x128xf32, #tpu.memory_space<vmem>>) offsets(%arg6 : memref<128xi32, #tpu.memory_space<vmem>>) semaphore(%arg25 : memref<!tpu.dma_semaphore, #tpu.memory_space<semaphore_mem>>)
      %dma_wait3A_545 = arith.constant 0 : i32
      %dma_wait3A_546 = arith.constant 0 : i32
      %dma_wait3A_547 = tpu.memref_slice %arg2[%dma_wait3A_545, %dma_wait3A_546] : memref<10000x128xf32, #tpu.memory_space<hbm>> -> memref<10000x128xf32, #tpu.memory_space<hbm>>
      tpu.wait_indirect_dma semaphore(%arg26 : memref<!tpu.dma_semaphore, #tpu.memory_space<semaphore_mem>>) src(%dma_wait3A_547 : memref<10000x128xf32, #tpu.memory_space<hbm>>) dst(%arg15 : memref<128x128xf32, #tpu.memory_space<vmem>>)
      %dma_start3A_548 = arith.constant 0 : i32
      %dma_start3A_549 = arith.constant 0 : i32
      %dma_start3A_550 = tpu.memref_slice %arg20[%dma_start3A_548, %dma_start3A_549] : memref<10000x128xf32, #tpu.memory_space<vmem_shared>> -> memref<10000x128xf32, #tpu.memory_space<vmem_shared>>
      tpu.enqueue_indirect_dma source(%arg15 : memref<128x128xf32, #tpu.memory_space<vmem>>) target(%dma_start3A_550 : memref<10000x128xf32, #tpu.memory_space<vmem_shared>>) offsets(%arg13 : memref<128xi32, #tpu.memory_space<vmem>>) semaphore(%arg28 : memref<!tpu.dma_semaphore, #tpu.memory_space<semaphore_mem>>) {add = true}
      %add3A_551 = arith.constant 3 : i32
      %add3A_552 = arith.addi %add3A_526, %add3A_551 : i32
      %mul3A_553 = arith.constant 128 : i32
      %mul3A_554 = arith.muli %add3A_552, %mul3A_553 : i32
      %add3A_555 = arith.addi %mul3A_2, %mul3A_554 : i32
      %dma_start3A_556 = tpu.memref_slice %arg3[%add3A_555] : memref<320000xi32, #tpu.memory_space<hbm>> -> memref<128xi32, #tpu.memory_space<hbm>>
      %dma_start3A_557 = tpu.memref_slice %arg3[%add3A_555] : memref<320000xi32, #tpu.memory_space<hbm>> -> memref<128xi32, #tpu.memory_space<hbm>>
      tpu.enqueue_dma source(%dma_start3A_557 : memref<128xi32, #tpu.memory_space<hbm>>) target(%arg8 : memref<128xi32, #tpu.memory_space<vmem>>) target_semaphore(%arg23 : memref<!tpu.dma_semaphore, #tpu.memory_space<semaphore_mem>>)
      %mul3A_558 = arith.constant 128 : i32
      %mul3A_559 = arith.muli %add3A_552, %mul3A_558 : i32
      %add3A_560 = arith.addi %mul3A_2, %mul3A_559 : i32
      %dma_start3A_561 = tpu.memref_slice %arg4[%add3A_560] : memref<320000xi32, #tpu.memory_space<hbm>> -> memref<128xi32, #tpu.memory_space<hbm>>
      %dma_start3A_562 = tpu.memref_slice %arg4[%add3A_560] : memref<320000xi32, #tpu.memory_space<hbm>> -> memref<128xi32, #tpu.memory_space<hbm>>
      tpu.enqueue_dma source(%dma_start3A_562 : memref<128xi32, #tpu.memory_space<hbm>>) target(%arg12 : memref<128xi32, #tpu.memory_space<vmem>>) target_semaphore(%arg23 : memref<!tpu.dma_semaphore, #tpu.memory_space<semaphore_mem>>)
      %mul3A_563 = arith.constant 4 : i32
      %mul3A_564 = arith.muli %scan3A_435, %mul3A_563 : i32
      %add3A_565 = arith.constant 3 : i32
      %add3A_566 = arith.addi %mul3A_564, %add3A_565 : i32
      %add3A_567 = arith.constant 1 : i32
      %add3A_568 = arith.addi %add3A_566, %add3A_567 : i32
      %add3A_569 = arith.constant 1 : i32
      %add3A_570 = arith.addi %add3A_568, %add3A_569 : i32
      %mul3A_571 = arith.constant 128 : i32
      %mul3A_572 = arith.muli %add3A_570, %mul3A_571 : i32
      %add3A_573 = arith.addi %mul3A_2, %mul3A_572 : i32
      %dma_wait3A_574 = tpu.memref_slice %arg3[%add3A_573] : memref<320000xi32, #tpu.memory_space<hbm>> -> memref<128xi32, #tpu.memory_space<hbm>>
      %dma_wait3A_575 = tpu.memref_slice %arg3[%add3A_573] : memref<320000xi32, #tpu.memory_space<hbm>> -> memref<128xi32, #tpu.memory_space<hbm>>
      tpu.wait_dma2 semaphore(%arg22 : memref<!tpu.dma_semaphore, #tpu.memory_space<semaphore_mem>>) src(%dma_wait3A_575 : memref<128xi32, #tpu.memory_space<hbm>>) dst(%arg7 : memref<128xi32, #tpu.memory_space<vmem>>)
      %mul3A_576 = arith.constant 128 : i32
      %mul3A_577 = arith.muli %add3A_570, %mul3A_576 : i32
      %add3A_578 = arith.addi %mul3A_2, %mul3A_577 : i32
      %dma_wait3A_579 = tpu.memref_slice %arg4[%add3A_578] : memref<320000xi32, #tpu.memory_space<hbm>> -> memref<128xi32, #tpu.memory_space<hbm>>
      %dma_wait3A_580 = tpu.memref_slice %arg4[%add3A_578] : memref<320000xi32, #tpu.memory_space<hbm>> -> memref<128xi32, #tpu.memory_space<hbm>>
      tpu.wait_dma2 semaphore(%arg22 : memref<!tpu.dma_semaphore, #tpu.memory_space<semaphore_mem>>) src(%dma_wait3A_580 : memref<128xi32, #tpu.memory_space<hbm>>) dst(%arg11 : memref<128xi32, #tpu.memory_space<vmem>>)
      %dma_wait3A_581 = arith.constant 0 : i32
      %dma_wait3A_582 = arith.constant 0 : i32
      %dma_wait3A_583 = tpu.memref_slice %arg20[%dma_wait3A_581, %dma_wait3A_582] : memref<10000x128xf32, #tpu.memory_space<vmem_shared>> -> memref<10000x128xf32, #tpu.memory_space<vmem_shared>>
      tpu.wait_indirect_dma semaphore(%arg28 : memref<!tpu.dma_semaphore, #tpu.memory_space<semaphore_mem>>) src(%arg15 : memref<128x128xf32, #tpu.memory_space<vmem>>) dst(%dma_wait3A_583 : memref<10000x128xf32, #tpu.memory_space<vmem_shared>>)
      %dma_start3A_584 = arith.constant 0 : i32
      %dma_start3A_585 = arith.constant 0 : i32
      %dma_start3A_586 = tpu.memref_slice %arg2[%dma_start3A_584, %dma_start3A_585] : memref<10000x128xf32, #tpu.memory_space<hbm>> -> memref<10000x128xf32, #tpu.memory_space<hbm>>
      tpu.enqueue_indirect_dma source(%dma_start3A_586 : memref<10000x128xf32, #tpu.memory_space<hbm>>) target(%arg15 : memref<128x128xf32, #tpu.memory_space<vmem>>) offsets(%arg7 : memref<128xi32, #tpu.memory_space<vmem>>) semaphore(%arg26 : memref<!tpu.dma_semaphore, #tpu.memory_space<semaphore_mem>>)
      %dma_wait3A_587 = arith.constant 0 : i32
      %dma_wait3A_588 = arith.constant 0 : i32
      %dma_wait3A_589 = tpu.memref_slice %arg2[%dma_wait3A_587, %dma_wait3A_588] : memref<10000x128xf32, #tpu.memory_space<hbm>> -> memref<10000x128xf32, #tpu.memory_space<hbm>>
      tpu.wait_indirect_dma semaphore(%arg25 : memref<!tpu.dma_semaphore, #tpu.memory_space<semaphore_mem>>) src(%dma_wait3A_589 : memref<10000x128xf32, #tpu.memory_space<hbm>>) dst(%arg14 : memref<128x128xf32, #tpu.memory_space<vmem>>)
      %dma_start3A_590 = arith.constant 0 : i32
      %dma_start3A_591 = arith.constant 0 : i32
      %dma_start3A_592 = tpu.memref_slice %arg20[%dma_start3A_590, %dma_start3A_591] : memref<10000x128xf32, #tpu.memory_space<vmem_shared>> -> memref<10000x128xf32, #tpu.memory_space<vmem_shared>>
      tpu.enqueue_indirect_dma source(%arg14 : memref<128x128xf32, #tpu.memory_space<vmem>>) target(%dma_start3A_592 : memref<10000x128xf32, #tpu.memory_space<vmem_shared>>) offsets(%arg10 : memref<128xi32, #tpu.memory_space<vmem>>) semaphore(%arg27 : memref<!tpu.dma_semaphore, #tpu.memory_space<semaphore_mem>>) {add = true}
      %add3A_593 = arith.constant 3 : i32
      %add3A_594 = arith.addi %add3A_568, %add3A_593 : i32
      %mul3A_595 = arith.constant 128 : i32
      %mul3A_596 = arith.muli %add3A_594, %mul3A_595 : i32
      %add3A_597 = arith.addi %mul3A_2, %mul3A_596 : i32
      %dma_start3A_598 = tpu.memref_slice %arg3[%add3A_597] : memref<320000xi32, #tpu.memory_space<hbm>> -> memref<128xi32, #tpu.memory_space<hbm>>
      %dma_start3A_599 = tpu.memref_slice %arg3[%add3A_597] : memref<320000xi32, #tpu.memory_space<hbm>> -> memref<128xi32, #tpu.memory_space<hbm>>
      tpu.enqueue_dma source(%dma_start3A_599 : memref<128xi32, #tpu.memory_space<hbm>>) target(%arg9 : memref<128xi32, #tpu.memory_space<vmem>>) target_semaphore(%arg24 : memref<!tpu.dma_semaphore, #tpu.memory_space<semaphore_mem>>)
      %mul3A_600 = arith.constant 128 : i32
      %mul3A_601 = arith.muli %add3A_594, %mul3A_600 : i32
      %add3A_602 = arith.addi %mul3A_2, %mul3A_601 : i32
      %dma_start3A_603 = tpu.memref_slice %arg4[%add3A_602] : memref<320000xi32, #tpu.memory_space<hbm>> -> memref<128xi32, #tpu.memory_space<hbm>>
      %dma_start3A_604 = tpu.memref_slice %arg4[%add3A_602] : memref<320000xi32, #tpu.memory_space<hbm>> -> memref<128xi32, #tpu.memory_space<hbm>>
      tpu.enqueue_dma source(%dma_start3A_604 : memref<128xi32, #tpu.memory_space<hbm>>) target(%arg13 : memref<128xi32, #tpu.memory_space<vmem>>) target_semaphore(%arg24 : memref<!tpu.dma_semaphore, #tpu.memory_space<semaphore_mem>>)
      %scan3A_605 = arith.constant 0 : i32
      scf.yield %scan3A_605 : i32
    }
    %scan3A_294 = arith.constant 18 : i32
    %add3A_295 = arith.constant 9472 : i32
    %add3A_296 = arith.addi %mul3A_2, %add3A_295 : i32
    %dma_wait3A_297 = tpu.memref_slice %arg3[%add3A_296] : memref<320000xi32, #tpu.memory_space<hbm>> -> memref<128xi32, #tpu.memory_space<hbm>>
    %dma_wait3A_298 = tpu.memref_slice %arg3[%add3A_296] : memref<320000xi32, #tpu.memory_space<hbm>> -> memref<128xi32, #tpu.memory_space<hbm>>
    tpu.wait_dma2 semaphore(%arg23 : memref<!tpu.dma_semaphore, #tpu.memory_space<semaphore_mem>>) src(%dma_wait3A_298 : memref<128xi32, #tpu.memory_space<hbm>>) dst(%arg8 : memref<128xi32, #tpu.memory_space<vmem>>)
    %add3A_299 = arith.constant 9472 : i32
    %add3A_300 = arith.addi %mul3A_2, %add3A_299 : i32
    %dma_wait3A_301 = tpu.memref_slice %arg4[%add3A_300] : memref<320000xi32, #tpu.memory_space<hbm>> -> memref<128xi32, #tpu.memory_space<hbm>>
    %dma_wait3A_302 = tpu.memref_slice %arg4[%add3A_300] : memref<320000xi32, #tpu.memory_space<hbm>> -> memref<128xi32, #tpu.memory_space<hbm>>
    tpu.wait_dma2 semaphore(%arg23 : memref<!tpu.dma_semaphore, #tpu.memory_space<semaphore_mem>>) src(%dma_wait3A_302 : memref<128xi32, #tpu.memory_space<hbm>>) dst(%arg12 : memref<128xi32, #tpu.memory_space<vmem>>)
    %dma_wait3A_303 = arith.constant 0 : i32
    %dma_wait3A_304 = arith.constant 0 : i32
    %dma_wait3A_305 = tpu.memref_slice %arg20[%dma_wait3A_303, %dma_wait3A_304] : memref<10000x128xf32, #tpu.memory_space<vmem_shared>> -> memref<10000x128xf32, #tpu.memory_space<vmem_shared>>
    tpu.wait_indirect_dma semaphore(%arg27 : memref<!tpu.dma_semaphore, #tpu.memory_space<semaphore_mem>>) src(%arg14 : memref<128x128xf32, #tpu.memory_space<vmem>>) dst(%dma_wait3A_305 : memref<10000x128xf32, #tpu.memory_space<vmem_shared>>)
    %dma_start3A_306 = arith.constant 0 : i32
    %dma_start3A_307 = arith.constant 0 : i32
    %dma_start3A_308 = tpu.memref_slice %arg2[%dma_start3A_306, %dma_start3A_307] : memref<10000x128xf32, #tpu.memory_space<hbm>> -> memref<10000x128xf32, #tpu.memory_space<hbm>>
    tpu.enqueue_indirect_dma source(%dma_start3A_308 : memref<10000x128xf32, #tpu.memory_space<hbm>>) target(%arg14 : memref<128x128xf32, #tpu.memory_space<vmem>>) offsets(%arg8 : memref<128xi32, #tpu.memory_space<vmem>>) semaphore(%arg25 : memref<!tpu.dma_semaphore, #tpu.memory_space<semaphore_mem>>)
    %dma_wait3A_309 = arith.constant 0 : i32
    %dma_wait3A_310 = arith.constant 0 : i32
    %dma_wait3A_311 = tpu.memref_slice %arg2[%dma_wait3A_309, %dma_wait3A_310] : memref<10000x128xf32, #tpu.memory_space<hbm>> -> memref<10000x128xf32, #tpu.memory_space<hbm>>
    tpu.wait_indirect_dma semaphore(%arg26 : memref<!tpu.dma_semaphore, #tpu.memory_space<semaphore_mem>>) src(%dma_wait3A_311 : memref<10000x128xf32, #tpu.memory_space<hbm>>) dst(%arg15 : memref<128x128xf32, #tpu.memory_space<vmem>>)
    %dma_start3A_312 = arith.constant 0 : i32
    %dma_start3A_313 = arith.constant 0 : i32
    %dma_start3A_314 = tpu.memref_slice %arg20[%dma_start3A_312, %dma_start3A_313] : memref<10000x128xf32, #tpu.memory_space<vmem_shared>> -> memref<10000x128xf32, #tpu.memory_space<vmem_shared>>
    tpu.enqueue_indirect_dma source(%arg15 : memref<128x128xf32, #tpu.memory_space<vmem>>) target(%dma_start3A_314 : memref<10000x128xf32, #tpu.memory_space<vmem_shared>>) offsets(%arg11 : memref<128xi32, #tpu.memory_space<vmem>>) semaphore(%arg28 : memref<!tpu.dma_semaphore, #tpu.memory_space<semaphore_mem>>) {add = true}
    %add3A_315 = arith.constant 9728 : i32
    %add3A_316 = arith.addi %mul3A_2, %add3A_315 : i32
    %dma_start3A_317 = tpu.memref_slice %arg3[%add3A_316] : memref<320000xi32, #tpu.memory_space<hbm>> -> memref<128xi32, #tpu.memory_space<hbm>>
    %dma_start3A_318 = tpu.memref_slice %arg3[%add3A_316] : memref<320000xi32, #tpu.memory_space<hbm>> -> memref<128xi32, #tpu.memory_space<hbm>>
    tpu.enqueue_dma source(%dma_start3A_318 : memref<128xi32, #tpu.memory_space<hbm>>) target(%arg6 : memref<128xi32, #tpu.memory_space<vmem>>) target_semaphore(%arg21 : memref<!tpu.dma_semaphore, #tpu.memory_space<semaphore_mem>>)
    %add3A_319 = arith.constant 9728 : i32
    %add3A_320 = arith.addi %mul3A_2, %add3A_319 : i32
    %dma_start3A_321 = tpu.memref_slice %arg4[%add3A_320] : memref<320000xi32, #tpu.memory_space<hbm>> -> memref<128xi32, #tpu.memory_space<hbm>>
    %dma_start3A_322 = tpu.memref_slice %arg4[%add3A_320] : memref<320000xi32, #tpu.memory_space<hbm>> -> memref<128xi32, #tpu.memory_space<hbm>>
    tpu.enqueue_dma source(%dma_start3A_322 : memref<128xi32, #tpu.memory_space<hbm>>) target(%arg10 : memref<128xi32, #tpu.memory_space<vmem>>) target_semaphore(%arg21 : memref<!tpu.dma_semaphore, #tpu.memory_space<semaphore_mem>>)
    %add3A_323 = arith.constant 9600 : i32
    %add3A_324 = arith.addi %mul3A_2, %add3A_323 : i32
    %dma_wait3A_325 = tpu.memref_slice %arg3[%add3A_324] : memref<320000xi32, #tpu.memory_space<hbm>> -> memref<128xi32, #tpu.memory_space<hbm>>
    %dma_wait3A_326 = tpu.memref_slice %arg3[%add3A_324] : memref<320000xi32, #tpu.memory_space<hbm>> -> memref<128xi32, #tpu.memory_space<hbm>>
    tpu.wait_dma2 semaphore(%arg24 : memref<!tpu.dma_semaphore, #tpu.memory_space<semaphore_mem>>) src(%dma_wait3A_326 : memref<128xi32, #tpu.memory_space<hbm>>) dst(%arg9 : memref<128xi32, #tpu.memory_space<vmem>>)
    %add3A_327 = arith.constant 9600 : i32
    %add3A_328 = arith.addi %mul3A_2, %add3A_327 : i32
    %dma_wait3A_329 = tpu.memref_slice %arg4[%add3A_328] : memref<320000xi32, #tpu.memory_space<hbm>> -> memref<128xi32, #tpu.memory_space<hbm>>
    %dma_wait3A_330 = tpu.memref_slice %arg4[%add3A_328] : memref<320000xi32, #tpu.memory_space<hbm>> -> memref<128xi32, #tpu.memory_space<hbm>>
    tpu.wait_dma2 semaphore(%arg24 : memref<!tpu.dma_semaphore, #tpu.memory_space<semaphore_mem>>) src(%dma_wait3A_330 : memref<128xi32, #tpu.memory_space<hbm>>) dst(%arg13 : memref<128xi32, #tpu.memory_space<vmem>>)
    %dma_wait3A_331 = arith.constant 0 : i32
    %dma_wait3A_332 = arith.constant 0 : i32
    %dma_wait3A_333 = tpu.memref_slice %arg20[%dma_wait3A_331, %dma_wait3A_332] : memref<10000x128xf32, #tpu.memory_space<vmem_shared>> -> memref<10000x128xf32, #tpu.memory_space<vmem_shared>>
    tpu.wait_indirect_dma semaphore(%arg28 : memref<!tpu.dma_semaphore, #tpu.memory_space<semaphore_mem>>) src(%arg15 : memref<128x128xf32, #tpu.memory_space<vmem>>) dst(%dma_wait3A_333 : memref<10000x128xf32, #tpu.memory_space<vmem_shared>>)
    %dma_start3A_334 = arith.constant 0 : i32
    %dma_start3A_335 = arith.constant 0 : i32
    %dma_start3A_336 = tpu.memref_slice %arg2[%dma_start3A_334, %dma_start3A_335] : memref<10000x128xf32, #tpu.memory_space<hbm>> -> memref<10000x128xf32, #tpu.memory_space<hbm>>
    tpu.enqueue_indirect_dma source(%dma_start3A_336 : memref<10000x128xf32, #tpu.memory_space<hbm>>) target(%arg15 : memref<128x128xf32, #tpu.memory_space<vmem>>) offsets(%arg9 : memref<128xi32, #tpu.memory_space<vmem>>) semaphore(%arg26 : memref<!tpu.dma_semaphore, #tpu.memory_space<semaphore_mem>>)
    %dma_wait3A_337 = arith.constant 0 : i32
    %dma_wait3A_338 = arith.constant 0 : i32
    %dma_wait3A_339 = tpu.memref_slice %arg2[%dma_wait3A_337, %dma_wait3A_338] : memref<10000x128xf32, #tpu.memory_space<hbm>> -> memref<10000x128xf32, #tpu.memory_space<hbm>>
    tpu.wait_indirect_dma semaphore(%arg25 : memref<!tpu.dma_semaphore, #tpu.memory_space<semaphore_mem>>) src(%dma_wait3A_339 : memref<10000x128xf32, #tpu.memory_space<hbm>>) dst(%arg14 : memref<128x128xf32, #tpu.memory_space<vmem>>)
    %dma_start3A_340 = arith.constant 0 : i32
    %dma_start3A_341 = arith.constant 0 : i32
    %dma_start3A_342 = tpu.memref_slice %arg20[%dma_start3A_340, %dma_start3A_341] : memref<10000x128xf32, #tpu.memory_space<vmem_shared>> -> memref<10000x128xf32, #tpu.memory_space<vmem_shared>>
    tpu.enqueue_indirect_dma source(%arg14 : memref<128x128xf32, #tpu.memory_space<vmem>>) target(%dma_start3A_342 : memref<10000x128xf32, #tpu.memory_space<vmem_shared>>) offsets(%arg12 : memref<128xi32, #tpu.memory_space<vmem>>) semaphore(%arg27 : memref<!tpu.dma_semaphore, #tpu.memory_space<semaphore_mem>>) {add = true}
    %add3A_343 = arith.constant 9856 : i32
    %add3A_344 = arith.addi %mul3A_2, %add3A_343 : i32
    %dma_start3A_345 = tpu.memref_slice %arg3[%add3A_344] : memref<320000xi32, #tpu.memory_space<hbm>> -> memref<128xi32, #tpu.memory_space<hbm>>
    %dma_start3A_346 = tpu.memref_slice %arg3[%add3A_344] : memref<320000xi32, #tpu.memory_space<hbm>> -> memref<128xi32, #tpu.memory_space<hbm>>
    tpu.enqueue_dma source(%dma_start3A_346 : memref<128xi32, #tpu.memory_space<hbm>>) target(%arg7 : memref<128xi32, #tpu.memory_space<vmem>>) target_semaphore(%arg22 : memref<!tpu.dma_semaphore, #tpu.memory_space<semaphore_mem>>)
    %add3A_347 = arith.constant 9856 : i32
    %add3A_348 = arith.addi %mul3A_2, %add3A_347 : i32
    %dma_start3A_349 = tpu.memref_slice %arg4[%add3A_348] : memref<320000xi32, #tpu.memory_space<hbm>> -> memref<128xi32, #tpu.memory_space<hbm>>
    %dma_start3A_350 = tpu.memref_slice %arg4[%add3A_348] : memref<320000xi32, #tpu.memory_space<hbm>> -> memref<128xi32, #tpu.memory_space<hbm>>
    tpu.enqueue_dma source(%dma_start3A_350 : memref<128xi32, #tpu.memory_space<hbm>>) target(%arg11 : memref<128xi32, #tpu.memory_space<vmem>>) target_semaphore(%arg22 : memref<!tpu.dma_semaphore, #tpu.memory_space<semaphore_mem>>)
    %add3A_351 = arith.constant 9728 : i32
    %add3A_352 = arith.addi %mul3A_2, %add3A_351 : i32
    %dma_wait3A_353 = tpu.memref_slice %arg3[%add3A_352] : memref<320000xi32, #tpu.memory_space<hbm>> -> memref<128xi32, #tpu.memory_space<hbm>>
    %dma_wait3A_354 = tpu.memref_slice %arg3[%add3A_352] : memref<320000xi32, #tpu.memory_space<hbm>> -> memref<128xi32, #tpu.memory_space<hbm>>
    tpu.wait_dma2 semaphore(%arg21 : memref<!tpu.dma_semaphore, #tpu.memory_space<semaphore_mem>>) src(%dma_wait3A_354 : memref<128xi32, #tpu.memory_space<hbm>>) dst(%arg6 : memref<128xi32, #tpu.memory_space<vmem>>)
    %add3A_355 = arith.constant 9728 : i32
    %add3A_356 = arith.addi %mul3A_2, %add3A_355 : i32
    %dma_wait3A_357 = tpu.memref_slice %arg4[%add3A_356] : memref<320000xi32, #tpu.memory_space<hbm>> -> memref<128xi32, #tpu.memory_space<hbm>>
    %dma_wait3A_358 = tpu.memref_slice %arg4[%add3A_356] : memref<320000xi32, #tpu.memory_space<hbm>> -> memref<128xi32, #tpu.memory_space<hbm>>
    tpu.wait_dma2 semaphore(%arg21 : memref<!tpu.dma_semaphore, #tpu.memory_space<semaphore_mem>>) src(%dma_wait3A_358 : memref<128xi32, #tpu.memory_space<hbm>>) dst(%arg10 : memref<128xi32, #tpu.memory_space<vmem>>)
    %dma_wait3A_359 = arith.constant 0 : i32
    %dma_wait3A_360 = arith.constant 0 : i32
    %dma_wait3A_361 = tpu.memref_slice %arg20[%dma_wait3A_359, %dma_wait3A_360] : memref<10000x128xf32, #tpu.memory_space<vmem_shared>> -> memref<10000x128xf32, #tpu.memory_space<vmem_shared>>
    tpu.wait_indirect_dma semaphore(%arg27 : memref<!tpu.dma_semaphore, #tpu.memory_space<semaphore_mem>>) src(%arg14 : memref<128x128xf32, #tpu.memory_space<vmem>>) dst(%dma_wait3A_361 : memref<10000x128xf32, #tpu.memory_space<vmem_shared>>)
    %dma_start3A_362 = arith.constant 0 : i32
    %dma_start3A_363 = arith.constant 0 : i32
    %dma_start3A_364 = tpu.memref_slice %arg2[%dma_start3A_362, %dma_start3A_363] : memref<10000x128xf32, #tpu.memory_space<hbm>> -> memref<10000x128xf32, #tpu.memory_space<hbm>>
    tpu.enqueue_indirect_dma source(%dma_start3A_364 : memref<10000x128xf32, #tpu.memory_space<hbm>>) target(%arg14 : memref<128x128xf32, #tpu.memory_space<vmem>>) offsets(%arg6 : memref<128xi32, #tpu.memory_space<vmem>>) semaphore(%arg25 : memref<!tpu.dma_semaphore, #tpu.memory_space<semaphore_mem>>)
    %dma_wait3A_365 = arith.constant 0 : i32
    %dma_wait3A_366 = arith.constant 0 : i32
    %dma_wait3A_367 = tpu.memref_slice %arg2[%dma_wait3A_365, %dma_wait3A_366] : memref<10000x128xf32, #tpu.memory_space<hbm>> -> memref<10000x128xf32, #tpu.memory_space<hbm>>
    tpu.wait_indirect_dma semaphore(%arg26 : memref<!tpu.dma_semaphore, #tpu.memory_space<semaphore_mem>>) src(%dma_wait3A_367 : memref<10000x128xf32, #tpu.memory_space<hbm>>) dst(%arg15 : memref<128x128xf32, #tpu.memory_space<vmem>>)
    %dma_start3A_368 = arith.constant 0 : i32
    %dma_start3A_369 = arith.constant 0 : i32
    %dma_start3A_370 = tpu.memref_slice %arg20[%dma_start3A_368, %dma_start3A_369] : memref<10000x128xf32, #tpu.memory_space<vmem_shared>> -> memref<10000x128xf32, #tpu.memory_space<vmem_shared>>
    tpu.enqueue_indirect_dma source(%arg15 : memref<128x128xf32, #tpu.memory_space<vmem>>) target(%dma_start3A_370 : memref<10000x128xf32, #tpu.memory_space<vmem_shared>>) offsets(%arg13 : memref<128xi32, #tpu.memory_space<vmem>>) semaphore(%arg28 : memref<!tpu.dma_semaphore, #tpu.memory_space<semaphore_mem>>) {add = true}
    %add3A_371 = arith.constant 9856 : i32
    %add3A_372 = arith.addi %mul3A_2, %add3A_371 : i32
    %dma_wait3A_373 = tpu.memref_slice %arg3[%add3A_372] : memref<320000xi32, #tpu.memory_space<hbm>> -> memref<128xi32, #tpu.memory_space<hbm>>
    %dma_wait3A_374 = tpu.memref_slice %arg3[%add3A_372] : memref<320000xi32, #tpu.memory_space<hbm>> -> memref<128xi32, #tpu.memory_space<hbm>>
    tpu.wait_dma2 semaphore(%arg22 : memref<!tpu.dma_semaphore, #tpu.memory_space<semaphore_mem>>) src(%dma_wait3A_374 : memref<128xi32, #tpu.memory_space<hbm>>) dst(%arg7 : memref<128xi32, #tpu.memory_space<vmem>>)
    %add3A_375 = arith.constant 9856 : i32
    %add3A_376 = arith.addi %mul3A_2, %add3A_375 : i32
    %dma_wait3A_377 = tpu.memref_slice %arg4[%add3A_376] : memref<320000xi32, #tpu.memory_space<hbm>> -> memref<128xi32, #tpu.memory_space<hbm>>
    %dma_wait3A_378 = tpu.memref_slice %arg4[%add3A_376] : memref<320000xi32, #tpu.memory_space<hbm>> -> memref<128xi32, #tpu.memory_space<hbm>>
    tpu.wait_dma2 semaphore(%arg22 : memref<!tpu.dma_semaphore, #tpu.memory_space<semaphore_mem>>) src(%dma_wait3A_378 : memref<128xi32, #tpu.memory_space<hbm>>) dst(%arg11 : memref<128xi32, #tpu.memory_space<vmem>>)
    %dma_wait3A_379 = arith.constant 0 : i32
    %dma_wait3A_380 = arith.constant 0 : i32
    %dma_wait3A_381 = tpu.memref_slice %arg20[%dma_wait3A_379, %dma_wait3A_380] : memref<10000x128xf32, #tpu.memory_space<vmem_shared>> -> memref<10000x128xf32, #tpu.memory_space<vmem_shared>>
    tpu.wait_indirect_dma semaphore(%arg28 : memref<!tpu.dma_semaphore, #tpu.memory_space<semaphore_mem>>) src(%arg15 : memref<128x128xf32, #tpu.memory_space<vmem>>) dst(%dma_wait3A_381 : memref<10000x128xf32, #tpu.memory_space<vmem_shared>>)
    %dma_start3A_382 = arith.constant 0 : i32
    %dma_start3A_383 = arith.constant 0 : i32
    %dma_start3A_384 = tpu.memref_slice %arg2[%dma_start3A_382, %dma_start3A_383] : memref<10000x128xf32, #tpu.memory_space<hbm>> -> memref<10000x128xf32, #tpu.memory_space<hbm>>
    tpu.enqueue_indirect_dma source(%dma_start3A_384 : memref<10000x128xf32, #tpu.memory_space<hbm>>) target(%arg15 : memref<128x128xf32, #tpu.memory_space<vmem>>) offsets(%arg7 : memref<128xi32, #tpu.memory_space<vmem>>) semaphore(%arg26 : memref<!tpu.dma_semaphore, #tpu.memory_space<semaphore_mem>>)
    %dma_wait3A_385 = arith.constant 0 : i32
    %dma_wait3A_386 = arith.constant 0 : i32
    %dma_wait3A_387 = tpu.memref_slice %arg2[%dma_wait3A_385, %dma_wait3A_386] : memref<10000x128xf32, #tpu.memory_space<hbm>> -> memref<10000x128xf32, #tpu.memory_space<hbm>>
    tpu.wait_indirect_dma semaphore(%arg25 : memref<!tpu.dma_semaphore, #tpu.memory_space<semaphore_mem>>) src(%dma_wait3A_387 : memref<10000x128xf32, #tpu.memory_space<hbm>>) dst(%arg14 : memref<128x128xf32, #tpu.memory_space<vmem>>)
    %dma_start3A_388 = arith.constant 0 : i32
    %dma_start3A_389 = arith.constant 0 : i32
    %dma_start3A_390 = tpu.memref_slice %arg20[%dma_start3A_388, %dma_start3A_389] : memref<10000x128xf32, #tpu.memory_space<vmem_shared>> -> memref<10000x128xf32, #tpu.memory_space<vmem_shared>>
    tpu.enqueue_indirect_dma source(%arg14 : memref<128x128xf32, #tpu.memory_space<vmem>>) target(%dma_start3A_390 : memref<10000x128xf32, #tpu.memory_space<vmem_shared>>) offsets(%arg10 : memref<128xi32, #tpu.memory_space<vmem>>) semaphore(%arg27 : memref<!tpu.dma_semaphore, #tpu.memory_space<semaphore_mem>>) {add = true}
    %dma_wait3A_391 = arith.constant 0 : i32
    %dma_wait3A_392 = arith.constant 0 : i32
    %dma_wait3A_393 = tpu.memref_slice %arg20[%dma_wait3A_391, %dma_wait3A_392] : memref<10000x128xf32, #tpu.memory_space<vmem_shared>> -> memref<10000x128xf32, #tpu.memory_space<vmem_shared>>
    tpu.wait_indirect_dma semaphore(%arg27 : memref<!tpu.dma_semaphore, #tpu.memory_space<semaphore_mem>>) src(%arg14 : memref<128x128xf32, #tpu.memory_space<vmem>>) dst(%dma_wait3A_393 : memref<10000x128xf32, #tpu.memory_space<vmem_shared>>)
    %dma_wait3A_394 = arith.constant 0 : i32
    %dma_wait3A_395 = arith.constant 0 : i32
    %dma_wait3A_396 = tpu.memref_slice %arg2[%dma_wait3A_394, %dma_wait3A_395] : memref<10000x128xf32, #tpu.memory_space<hbm>> -> memref<10000x128xf32, #tpu.memory_space<hbm>>
    tpu.wait_indirect_dma semaphore(%arg26 : memref<!tpu.dma_semaphore, #tpu.memory_space<semaphore_mem>>) src(%dma_wait3A_396 : memref<10000x128xf32, #tpu.memory_space<hbm>>) dst(%arg15 : memref<128x128xf32, #tpu.memory_space<vmem>>)
    %dma_start3A_397 = arith.constant 0 : i32
    %dma_start3A_398 = arith.constant 0 : i32
    %dma_start3A_399 = tpu.memref_slice %arg20[%dma_start3A_397, %dma_start3A_398] : memref<10000x128xf32, #tpu.memory_space<vmem_shared>> -> memref<10000x128xf32, #tpu.memory_space<vmem_shared>>
    tpu.enqueue_indirect_dma source(%arg15 : memref<128x128xf32, #tpu.memory_space<vmem>>) target(%dma_start3A_399 : memref<10000x128xf32, #tpu.memory_space<vmem_shared>>) offsets(%arg11 : memref<128xi32, #tpu.memory_space<vmem>>) semaphore(%arg28 : memref<!tpu.dma_semaphore, #tpu.memory_space<semaphore_mem>>) {add = true}
    %dma_wait3A_400 = arith.constant 0 : i32
    %dma_wait3A_401 = arith.constant 0 : i32
    %dma_wait3A_402 = tpu.memref_slice %arg20[%dma_wait3A_400, %dma_wait3A_401] : memref<10000x128xf32, #tpu.memory_space<vmem_shared>> -> memref<10000x128xf32, #tpu.memory_space<vmem_shared>>
    tpu.wait_indirect_dma semaphore(%arg28 : memref<!tpu.dma_semaphore, #tpu.memory_space<semaphore_mem>>) src(%arg15 : memref<128x128xf32, #tpu.memory_space<vmem>>) dst(%dma_wait3A_402 : memref<10000x128xf32, #tpu.memory_space<vmem_shared>>)
    %dma_wait3A_403 = tpu.memref_slice %arg3[%add3A_35] : memref<320000xi32, #tpu.memory_space<hbm>> -> memref<16xi32, #tpu.memory_space<hbm>>
    %dma_wait3A_404 = tpu.memref_slice %arg3[%add3A_35] : memref<320000xi32, #tpu.memory_space<hbm>> -> memref<16xi32, #tpu.memory_space<hbm>>
    tpu.wait_dma2 semaphore(%arg29 : memref<!tpu.dma_semaphore, #tpu.memory_space<semaphore_mem>>) src(%dma_wait3A_404 : memref<16xi32, #tpu.memory_space<hbm>>) dst(%arg16 : memref<16xi32, #tpu.memory_space<vmem>>)
    %dma_wait3A_405 = tpu.memref_slice %arg4[%add3A_35] : memref<320000xi32, #tpu.memory_space<hbm>> -> memref<16xi32, #tpu.memory_space<hbm>>
    %dma_wait3A_406 = tpu.memref_slice %arg4[%add3A_35] : memref<320000xi32, #tpu.memory_space<hbm>> -> memref<16xi32, #tpu.memory_space<hbm>>
    tpu.wait_dma2 semaphore(%arg29 : memref<!tpu.dma_semaphore, #tpu.memory_space<semaphore_mem>>) src(%dma_wait3A_406 : memref<16xi32, #tpu.memory_space<hbm>>) dst(%arg17 : memref<16xi32, #tpu.memory_space<vmem>>)
    %dma_start3A_407 = arith.constant 0 : i32
    %dma_start3A_408 = arith.constant 0 : i32
    %dma_start3A_409 = tpu.memref_slice %arg2[%dma_start3A_407, %dma_start3A_408] : memref<10000x128xf32, #tpu.memory_space<hbm>> -> memref<10000x128xf32, #tpu.memory_space<hbm>>
    tpu.enqueue_indirect_dma source(%dma_start3A_409 : memref<10000x128xf32, #tpu.memory_space<hbm>>) target(%arg18 : memref<16x128xf32, #tpu.memory_space<vmem>>) offsets(%arg16 : memref<16xi32, #tpu.memory_space<vmem>>) semaphore(%arg29 : memref<!tpu.dma_semaphore, #tpu.memory_space<semaphore_mem>>)
    %dma_wait3A_410 = arith.constant 0 : i32
    %dma_wait3A_411 = arith.constant 0 : i32
    %dma_wait3A_412 = tpu.memref_slice %arg2[%dma_wait3A_410, %dma_wait3A_411] : memref<10000x128xf32, #tpu.memory_space<hbm>> -> memref<10000x128xf32, #tpu.memory_space<hbm>>
    tpu.wait_indirect_dma semaphore(%arg29 : memref<!tpu.dma_semaphore, #tpu.memory_space<semaphore_mem>>) src(%dma_wait3A_412 : memref<10000x128xf32, #tpu.memory_space<hbm>>) dst(%arg18 : memref<16x128xf32, #tpu.memory_space<vmem>>)
    "tpu.region"() ({
      %run_scoped3A = tpu.sem_alloc : memref<!tpu.dma_semaphore, #tpu.memory_space<semaphore_mem>>
      %dma_start3A_435 = arith.constant 0 : i32
      %dma_start3A_436 = arith.constant 0 : i32
      %dma_start3A_437 = tpu.memref_slice %arg20[%dma_start3A_435, %dma_start3A_436] : memref<10000x128xf32, #tpu.memory_space<vmem_shared>> -> memref<10000x128xf32, #tpu.memory_space<vmem_shared>>
      tpu.enqueue_indirect_dma source(%arg18 : memref<16x128xf32, #tpu.memory_space<vmem>>) target(%dma_start3A_437 : memref<10000x128xf32, #tpu.memory_space<vmem_shared>>) offsets(%arg17 : memref<16xi32, #tpu.memory_space<vmem>>) semaphore(%run_scoped3A : memref<!tpu.dma_semaphore, #tpu.memory_space<semaphore_mem>>) {add = true}
      %dma_wait3A_438 = arith.constant 0 : i32
      %dma_wait3A_439 = arith.constant 0 : i32
      %dma_wait3A_440 = tpu.memref_slice %arg20[%dma_wait3A_438, %dma_wait3A_439] : memref<10000x128xf32, #tpu.memory_space<vmem_shared>> -> memref<10000x128xf32, #tpu.memory_space<vmem_shared>>
      tpu.wait_indirect_dma semaphore(%run_scoped3A : memref<!tpu.dma_semaphore, #tpu.memory_space<semaphore_mem>>) src(%arg18 : memref<16x128xf32, #tpu.memory_space<vmem>>) dst(%dma_wait3A_440 : memref<10000x128xf32, #tpu.memory_space<vmem_shared>>)
      tpu.yield
    }) : () -> ()
    %barrier3A_413 = arith.constant 0 : index
    tpu.barrier barrier_id(%barrier3A_413)
    %mul3A_414 = arith.constant 624 : i32
    %mul3A_415 = arith.muli %arg1, %mul3A_414 : i32
    %mul3A_416 = arith.constant 10000 : i32
    %mul3A_417 = arith.muli %arg0, %mul3A_416 : i32
    %add3A_418 = arith.addi %mul3A_417, %mul3A_415 : i32
    %dma_start3A_419 = arith.constant 0 : i32
    %dma_start3A_420 = tpu.memref_slice %arg5[%add3A_418, %dma_start3A_419] : memref<20000x128xf32, #tpu.memory_space<hbm>> -> memref<624x128xf32, #tpu.memory_space<hbm>>
    %dma_start3A_421 = arith.constant 0 : i32
    %dma_start3A_422 = tpu.memref_slice %arg20[%mul3A_415, %dma_start3A_421] : memref<10000x128xf32, #tpu.memory_space<vmem_shared>> -> memref<624x128xf32, #tpu.memory_space<vmem_shared>>
    tpu.enqueue_dma source(%dma_start3A_422 : memref<624x128xf32, #tpu.memory_space<vmem_shared>>) target(%dma_start3A_420 : memref<624x128xf32, #tpu.memory_space<hbm>>) target_semaphore(%arg29 : memref<!tpu.dma_semaphore, #tpu.memory_space<semaphore_mem>>)
    %mul3A_423 = arith.constant 10000 : i32
    %mul3A_424 = arith.muli %arg0, %mul3A_423 : i32
    %add3A_425 = arith.addi %mul3A_424, %mul3A_415 : i32
    %dma_wait3A_426 = arith.constant 0 : i32
    %dma_wait3A_427 = tpu.memref_slice %arg5[%add3A_425, %dma_wait3A_426] : memref<20000x128xf32, #tpu.memory_space<hbm>> -> memref<624x128xf32, #tpu.memory_space<hbm>>
    %dma_wait3A_428 = arith.constant 0 : i32
    %dma_wait3A_429 = tpu.memref_slice %arg20[%mul3A_415, %dma_wait3A_428] : memref<10000x128xf32, #tpu.memory_space<vmem_shared>> -> memref<624x128xf32, #tpu.memory_space<vmem_shared>>
    tpu.wait_dma2 semaphore(%arg29 : memref<!tpu.dma_semaphore, #tpu.memory_space<semaphore_mem>>) src(%dma_wait3A_429 : memref<624x128xf32, #tpu.memory_space<vmem_shared>>) dst(%dma_wait3A_427 : memref<624x128xf32, #tpu.memory_space<hbm>>)
    %eq3A_430 = arith.constant 15 : i32
    %eq3A_431 = arith.cmpi eq, %arg1, %eq3A_430 : i32
    %convert_element_type3A_432 = arith.extui %eq3A_431 : i1 to i32
    %cond3A_433 = arith.constant 0 : i32
    %cond3A_434 = arith.cmpi ne, %convert_element_type3A_432, %cond3A_433 : i32
    scf.if %cond3A_434 {
      %mul3A_435 = arith.constant 10000 : i32
      %mul3A_436 = arith.muli %arg0, %mul3A_435 : i32
      %add3A_437 = arith.constant 9984 : i32
      %add3A_438 = arith.addi %mul3A_436, %add3A_437 : i32
      %dma_start3A_439 = arith.constant 0 : i32
      %dma_start3A_440 = tpu.memref_slice %arg5[%add3A_438, %dma_start3A_439] : memref<20000x128xf32, #tpu.memory_space<hbm>> -> memref<16x128xf32, #tpu.memory_space<hbm>>
      %dma_start3A_441 = arith.constant 9984 : i32
      %dma_start3A_442 = arith.constant 0 : i32
      %dma_start3A_443 = tpu.memref_slice %arg20[%dma_start3A_441, %dma_start3A_442] : memref<10000x128xf32, #tpu.memory_space<vmem_shared>> -> memref<16x128xf32, #tpu.memory_space<vmem_shared>>
      tpu.enqueue_dma source(%dma_start3A_443 : memref<16x128xf32, #tpu.memory_space<vmem_shared>>) target(%dma_start3A_440 : memref<16x128xf32, #tpu.memory_space<hbm>>) target_semaphore(%arg29 : memref<!tpu.dma_semaphore, #tpu.memory_space<semaphore_mem>>)
      %mul3A_444 = arith.constant 10000 : i32
      %mul3A_445 = arith.muli %arg0, %mul3A_444 : i32
      %add3A_446 = arith.constant 9984 : i32
      %add3A_447 = arith.addi %mul3A_445, %add3A_446 : i32
      %dma_wait3A_448 = arith.constant 0 : i32
      %dma_wait3A_449 = tpu.memref_slice %arg5[%add3A_447, %dma_wait3A_448] : memref<20000x128xf32, #tpu.memory_space<hbm>> -> memref<16x128xf32, #tpu.memory_space<hbm>>
      %dma_wait3A_450 = arith.constant 9984 : i32
      %dma_wait3A_451 = arith.constant 0 : i32
      %dma_wait3A_452 = tpu.memref_slice %arg20[%dma_wait3A_450, %dma_wait3A_451] : memref<10000x128xf32, #tpu.memory_space<vmem_shared>> -> memref<16x128xf32, #tpu.memory_space<vmem_shared>>
      tpu.wait_dma2 semaphore(%arg29 : memref<!tpu.dma_semaphore, #tpu.memory_space<semaphore_mem>>) src(%dma_wait3A_452 : memref<16x128xf32, #tpu.memory_space<vmem_shared>>) dst(%dma_wait3A_449 : memref<16x128xf32, #tpu.memory_space<hbm>>)
    } else {
    }
    return
  }
}

module attributes {stable_mosaic.version = 14 : i64} {
  func.func @_comb_body(%arg0: i32, %arg1: memref<2x2000x128xf32, #tpu.memory_space<vmem>>, %arg2: memref<128x128xf32, #tpu.memory_space<vmem>>, %arg3: memref<1x128xf32, #tpu.memory_space<vmem>>, %arg4: memref<2000x128xf32, #tpu.memory_space<vmem>>) attributes {dimension_semantics = [#tpu.dimension_semantics<arbitrary>], iteration_bounds = array<i64: 5>, scalar_prefetch = 0 : i64, scratch_operands = 0 : i64, tpu.core_type = #tpu.core_type<tc>, window_params = [{transform_indices = @transform_0, window_bounds = array<i64: 2, 2000, 128>}, {pipeline_mode = #tpu.pipeline_mode<synchronous>, transform_indices = @transform_1, window_bounds = array<i64: 128, 128>}, {pipeline_mode = #tpu.pipeline_mode<synchronous>, transform_indices = @transform_2, window_bounds = array<i64: 1, 128>}, {transform_indices = @transform_3, window_bounds = array<i64: 2000, 128>}]} {
    %get3A = arith.constant 0 : index
    %get3A_0 = arith.constant 0 : index
    %get3A_1 = arith.constant 0 : index
    %get3A_2 = vector.load %arg1[%get3A, %get3A_0, %get3A_1] : memref<2x2000x128xf32, #tpu.memory_space<vmem>>, vector<1x2000x128xf32>
    %get3A_3 = vector.shape_cast %get3A_2 : vector<1x2000x128xf32> to vector<2000x128xf32>
    %get3A_4 = arith.constant 1 : index
    %get3A_5 = arith.constant 0 : index
    %get3A_6 = arith.constant 0 : index
    %get3A_7 = vector.load %arg1[%get3A_4, %get3A_5, %get3A_6] : memref<2x2000x128xf32, #tpu.memory_space<vmem>>, vector<1x2000x128xf32>
    %get3A_8 = vector.shape_cast %get3A_7 : vector<1x2000x128xf32> to vector<2000x128xf32>
    %add3A = arith.addf %get3A_3, %get3A_8 : vector<2000x128xf32>
    %get3A_9 = arith.constant 0 : index
    %get3A_10 = arith.constant 0 : index
    %get3A_11 = vector.load %arg2[%get3A_9, %get3A_10] : memref<128x128xf32, #tpu.memory_space<vmem>>, vector<128x128xf32>
    %dot_general3A = arith.constant dense<0.000000e+00> : vector<2000x128xf32>
    %dot_general3A_12 = tpu.matmul %add3A, %get3A_11, %dot_general3A {dimension_numbers = #tpu.dot_dimension_numbers<[1], [0], [0], [1], [0, 0, 1, 1], [], []>, precision = #tpu.contract_precision<fp32>, transpose_lhs_hint = false} : vector<2000x128xf32>, vector<128x128xf32>, vector<2000x128xf32> -> vector<2000x128xf32>
    %get3A_13 = arith.constant 0 : index
    %get3A_14 = arith.constant 0 : index
    %get3A_15 = vector.load %arg3[%get3A_13, %get3A_14] : memref<1x128xf32, #tpu.memory_space<vmem>>, vector<1x128xf32>
    %add3A_16 = vector.broadcast %get3A_15 : vector<1x128xf32> to vector<2000x128xf32>
    %add3A_17 = arith.addf %dot_general3A_12, %add3A_16 : vector<2000x128xf32>
    %swap3A = arith.constant 0 : index
    %swap3A_18 = arith.constant 0 : index
    %swap3A_19 = vector.load %arg4[%swap3A, %swap3A_18] : memref<2000x128xf32, #tpu.memory_space<vmem>>, vector<2000x128xf32>
    tpu.vector_store %arg4[%swap3A, %swap3A_18], %add3A_17 {strides = array<i32>} : memref<2000x128xf32, #tpu.memory_space<vmem>>, vector<2000x128xf32>,
    return
  }
  func.func @transform_0(%arg0: i32) -> (i32, i32, i32) {
    %c0_i32 = arith.constant 0 : i32
    %c0_i32_0 = arith.constant 0 : i32
    %c0_i32_1 = arith.constant 0 : i32
    return %c0_i32, %arg0, %c0_i32_0 : i32, i32, i32
  }
  func.func @transform_1(%arg0: i32) -> (i32, i32) {
    %c0_i32 = arith.constant 0 : i32
    %c0_i32_0 = arith.constant 0 : i32
    %c0_i32_1 = arith.constant 0 : i32
    return %c0_i32, %c0_i32_0 : i32, i32
  }
  func.func @transform_2(%arg0: i32) -> (i32, i32) {
    %c0_i32 = arith.constant 0 : i32
    %c0_i32_0 = arith.constant 0 : i32
    %c0_i32_1 = arith.constant 0 : i32
    return %c0_i32, %c0_i32_0 : i32, i32
  }
  func.func @transform_3(%arg0: i32) -> (i32, i32) {
    %c0_i32 = arith.constant 0 : i32
    %c0_i32_0 = arith.constant 0 : i32
    return %arg0, %c0_i32 : i32, i32
  }
}

</mosaic_0001>

<sc_bundles>
// kernel: kernel.4.cloned.1.call-start
scs
__scs_entry_jumppad:
0x0: {  	(pc) =	sbr.rel $0x88, $3  }
0x1: {  	(tag) =	ssettag $0x0;
	lr =	simm.s32 $0x1  }
0x2: {  	[smem:$0x3F9D] =	sst lr;
	_ =	strace $0xD0000000  }
0x3: {  	_ = 	snop  }
0x4: {  	_ = 	snop  }
0x5: {  	_ = 	snop  }
0x6: {  	_ = 	snop  }
0x7: {  	_ = 	snop  }
__scs_overlays_trampoline_lowered:
0x8: {  	[smem:$0x3FAC] =	sst s0  }
0x9: {  	[smem:$0x3FAD] =	sst s1  }
0xa: {  	[smem:$0x3FAE] =	sst s2  }
0xb: {  	[smem:$0x3FAF] =	sst s3  }
0xc: {  	[smem:$0x3FB0] =	sst s4  }
0xd: {  	[smem:$0x3FB1] =	sst s5  }
0xe: {  	[smem:$0x3FB2] =	sst s6  }
0xf: {  	[smem:$0x3FB3] =	sst s7  }
0x10: {  	[smem:$0x3FB4] =	sst s8  }
0x11: {  	[smem:$0x3FB5] =	sst s9;
	s0 =	simm.s32 @!p0 $0x0  }
0x12: {  	s1 =	sld [smem:$0x3F9B];
	s0 =	simm.s32 @p0 $0x1  }
0x13: {  	[smem:$0x3FB6] =	sst s0;
	s0 =	simm.s32 @!p1 $0x0  }
0x14: {  	s2 =	sld [smem:$0x3F9A];
	s0 =	simm.s32 @p1 $0x1  }
0x15: {  	[smem:$0x3FB7] =	sst s0;
	s0 =	simm.s32 @!p2 $0x0  }
0x16: {  	s3 =	sld [smem:$0x3FDB];
	s0 =	simm.s32 @p2 $0x1  }
0x17: {  	s4 =	simm.s32 $0x1BF5;
	[smem:$0x3FB9] =	sst s0  }
0x18: {  	s0 =	sld [smem:$0x3F9C];
	_ =	swait.ge [sflag:s4], $0x0  }
0x19: {  	s7 =	sld [smem:$0x3F9D]  }
0x1a: {  	s8 =	sadd.s32 $0xFFFFE003, lr  }
0x1b: {  	s9 =	sadd.s32 $0xFFFFFEF7, lr;
	s5 =	simm.s32 $0xFFFFFFFF;
	p2 =	slt.u32 s8, $0xFFFFF086  }
0x1c: {  	p1 =	slt.u32 s9, $0xF7A;
	s5 =	simm.s32 @!p2 $0x0  }
0x1d: {  	s5 =	simm.s32 @p1 $0x1;
	p0 =	seq.s32 s7, s2  }
0x1e: {  	s7 =	smul.u32 @!p0 $0xF7A, s2;
	p2 =	seq.s32 @!p0 s5, $0x0  }
0x1f: {  	s9 =	smul.u32 $0xF7A, s1;
	s8 =	simm.s32 @!p0 $0x1BF5;
	p2 =	por !p2, p0  }
0x20: {  	[sflag:s8] =	ssyncset.s32 @!p0 $0xFFFFF086;
	s6 =	sadd.s32 @!p0 s3, s7;
	s7 =	simm.s32 @!p0 $0x108  }
0x21: {  	s3 =	sadd.s32 s3, s9;
	s6 =	sadd.s32 @!p0 $0x88, s6;
	s7 =	simm.s32 @p2 $0x1082  }
0x22: {  	[simem:s7], [sflag:s8] =	dma.local @!p0 [hbm:s6], $0xF7A  }
0x23: {  	s9 =	sor.u32 $0xD0000000, s2;
	s6 =	simm.s32 $0x108;
	_ =	swait.ge @!p0 [sflag:s8], $0x0  }
0x24: {  	s3 =	sadd.s32 $0x88, s3;
	s6 =	simm.s32 @!p1 $0x1082;
	[sflag:s4] =	ssyncset.s32 $0xFFFFF086  }
0x25: {  	[simem:s6], [sflag:s4] =	dma.local [hbm:s3], $0xF7A  }
0x26: {  	[smem:$0x3F9D] =	sst s1;
	(tag) =	ssettag s2;
	_ =	strace s9  }
0x27: {  	s1 =	sld [smem:$0x3FAD]  }
0x28: {  	s2 =	sld [smem:$0x3FAE]  }
0x29: {  	s4 =	sld [smem:$0x3FB0]  }
0x2a: {  	p0 =	seq.s32 s5, $0x0;
	s5 =	sld [smem:$0x3FB1]  }
0x2b: {  	s6 =	sld [smem:$0x3FB2]  }
0x2c: {  	s7 =	sld [smem:$0x3FB3]  }
0x2d: {  	s3 =	simm.s32 $0x108;
	s8 =	sld [smem:$0x3FB4]  }
0x2e: {  	s3 =	simm.s32 @!p0 $0x1082;
	s9 =	sld [smem:$0x3FB5]  }
0x2f: {  	lr =	sadd.s32 s0, s3;
	s0 =	sld [smem:$0x3FAC]  }
0x30: {  	s3 =	sld [smem:$0x3FAF]  }
0x31: {  	[smem:$0x3FB8] =	sst s10  }
0x32: {  	s10 =	sld [smem:$0x3FB6];
	_ =	sdelay $0x3  }
0x33: {  	p0 =	seq.s32 s10, $0x1;
	s10 =	sld [smem:$0x3FB8];
	_ =	sdelay $0x3  }
0x34: {  	[smem:$0x3FB8] =	sst s10  }
0x35: {  	s10 =	sld [smem:$0x3FB7];
	_ =	sdelay $0x3  }
0x36: {  	p1 =	seq.s32 s10, $0x1;
	s10 =	sld [smem:$0x3FB8];
	_ =	sdelay $0x3  }
0x37: {  	[smem:$0x3FB8] =	sst s10  }
0x38: {  	s10 =	sld [smem:$0x3FB9]  }
0x39: {  	_ = 	snop;
	(pc) =	sbr.ind lr, $3  }
0x3a: {  	_ = 	snop  }
0x3b: {  	_ = 	snop  }
0x3c: {  	p2 =	seq.s32 s10, $0x1;
	s10 =	sld [smem:$0x3FB8]  }
0x3d: {  	_ =	shalt  }
0x3e: {  	_ =	shalt  }
0x3f: {  	_ =	shalt  }
0x40: {  	_ =	shalt  }
0x41: {  	_ =	shalt  }
0x42: {  	_ =	shalt  }
0x43: {  	_ =	shalt  }
0x44: {  	_ =	shalt  }
0x45: {  	_ =	shalt  }
0x46: {  	_ =	shalt  }
0x47: {  	_ =	shalt  }
0x48: {  	_ =	shalt  }
0x49: {  	_ =	shalt  }
0x4a: {  	_ =	shalt  }
0x4b: {  	_ =	shalt  }
0x4c: {  	_ =	shalt  }
0x4d: {  	_ =	shalt  }
0x4e: {  	_ =	shalt  }
0x4f: {  	_ =	shalt  }
0x50: {  	_ =	shalt  }
0x51: {  	_ =	shalt  }
0x52: {  	_ =	shalt  }
0x53: {  	_ =	shalt  }
0x54: {  	_ =	shalt  }
0x55: {  	_ =	shalt  }
0x56: {  	_ =	shalt  }
0x57: {  	_ =	shalt  }
0x58: {  	_ =	shalt  }
0x59: {  	_ =	shalt  }
0x5a: {  	_ =	shalt  }
0x5b: {  	_ =	shalt  }
0x5c: {  	_ =	shalt  }
0x5d: {  	_ =	shalt  }
0x5e: {  	_ =	shalt  }
0x5f: {  	_ =	shalt  }
0x60: {  	_ =	shalt  }
0x61: {  	_ =	shalt  }
0x62: {  	_ =	shalt  }
0x63: {  	_ =	shalt  }
0x64: {  	_ =	shalt  }
0x65: {  	_ =	shalt  }
0x66: {  	_ =	shalt  }
0x67: {  	_ =	shalt  }
0x68: {  	_ =	shalt  }
0x69: {  	_ =	shalt  }
0x6a: {  	_ =	shalt  }
0x6b: {  	_ =	shalt  }
0x6c: {  	_ =	shalt  }
0x6d: {  	_ =	shalt  }
0x6e: {  	_ =	shalt  }
0x6f: {  	_ =	shalt  }
0x70: {  	_ =	shalt  }
0x71: {  	_ =	shalt  }
0x72: {  	_ =	shalt  }
0x73: {  	_ =	shalt  }
0x74: {  	_ =	shalt  }
0x75: {  	_ =	shalt  }
0x76: {  	_ =	shalt  }
0x77: {  	_ =	shalt  }
0x78: {  	_ =	shalt  }
0x79: {  	_ =	shalt  }
0x7a: {  	_ =	shalt  }
0x7b: {  	_ =	shalt  }
0x7c: {  	_ =	shalt  }
0x7d: {  	_ =	shalt  }
0x7e: {  	_ =	shalt  }
0x7f: {  	_ =	shalt  }
0x80: {  	_ =	shalt  }
0x81: {  	_ =	shalt  }
0x82: {  	_ =	shalt  }
0x83: {  	_ =	shalt  }
0x84: {  	_ =	shalt  }
0x85: {  	_ =	shalt  }
0x86: {  	_ =	shalt  }
0x87: {  	_ =	shalt  }
.Lfunc_end0:
.L_simem_size_0:
called_computation_lowered:
.L_overlay_start_0:
0x88: {  	s2 =	sld [smem:$0x3FD9]  }
0x89: {  	s3 =	sld [smem:$0x3FFE];
	_ =	sdelay $0x1  }
0x8a: {  	s1 =	srdreg.scid  }
0x8b: {  	s0 =	sand.u32 $0x1, s1  }
0x8c: {  	s17 =	sshll.u32 s0, $0xA;
	s2 =	sadd.s32 s3, s2  }
0x8d: {  	s2 =	sadd.s32 s2, s17  }
0x8e: {  	[smem:$0x3FC4] =	sst s2  }
0x8f: {  	_ = 	snop  }
0x90: {  	s2 =	sld [smem:$0x3FC9]  }
0x91: {  	s18 =	sld [smem:$0x3FD0];
	(tm) =	ssettm $0x1  }
0x92: {  	s4 =	sld [smem:$0x3FFB];
	_ =	sdelay $0x3  }
0x93: {  	_ =	strace s4  }
0x94: {  	s4 =	sld [smem:$0x3FFC];
	_ =	sdelay $0x3  }
0x95: {  	_ =	strace s4  }
0x96: {  	s4 =	sld [smem:$0x3FFD];
	_ =	sdelay $0x3  }
0x97: {  	_ =	strace s4  }
0x98: {  	_ =	strace $0x8FFFFFFF  }
0x99: {  	s19 =	sld [smem:$0x3FDB];
	_ =	sdelay $0x1  }
0x9a: {  	s5 =	simm.s32 $_scs_section_size  }
0x9b: {  	s6 =	simm.s32 $_size__tile_overlayer_lowered;
	s7 =	simm.s32 $_tile_overlayer_lowered  }
0x9c: {  	s22 =	simm.s32 $0x1BFF;
	s21 =	sshll.u32 s7, $0x1;
	s4 =	sadd.s32 s5, s19  }
0x9d: {  	s8 =	simm.s32 $0x0;
	s20 =	sshll.u32 s6, $0x1;
	s6 =	sadd.s32 s21, s4  }
0x9e: {  	[timem:s8], [sflag:s22] =	dma.local [hbm:s6], s20  }
0x9f: {  	_ =	swait.ge [sflag:s22], s20  }
0xa0: {  	s5 =	ssub.s32 $0x0, s20;
	[sflag:s22] =	ssyncset.done $0x0  }
0xa1: {  	[sflag:s22] =	ssyncadd.s32 s5;
	_ =	sdelay $0x1  }
0xa2: {  	s23 =	simm.s32 $0x1B8B  }
0xa3: {  	_ =	swait.ge [sflag:s23], $0x1  }
0xa4: {  	[sflag:s23] =	ssyncset.done $0x0  }
0xa5: {  	s25 =	simm.s32 $0x1B8E;
	s24 =	sld [smem:$0x3FFE];
	[sflag:s23] =	ssyncadd.s32 $0xFFFFFFFF  }
0xa6: {  	s26 =	simm.s32 $execute0_lowered;
	[smem:$0x3FD2] =	sst s25  }
0xa7: {  	s6 =	sshll.u32 s26, $0x1;
	_ =	strace $0x80000046;
	[dreg:$0x1] =	wrdreg $0xFFFFFFFF  }
0xa8: {  	s28 =	simm.s32 $_size_execute0_lowered;
	s4 =	sadd.s32 s4, s6;
	[dreg:$0x0] =	wrdreg $0x0  }
0xa9: {  	s6 =	sshll.u32 s28, $0x1;
	[dreg:$0x2] =	wrdreg s4  }
0xaa: {  	[dreg:$0x3] =	wrdreg s6  }
0xab: {  	[dreg:$0x4] =	wrdreg $0xC0  }
0xac: {  	_ =	task [dreg:s8], $0x5FFFF  }
0xad: {  	[dreg:$0x1] =	wrdreg $0xFFFFFFFF  }
0xae: {  	[dreg:$0x0] =	wrdreg $0x60  }
0xaf: {  	[dreg:$0x2] =	wrdreg s2  }
0xb0: {  	[dreg:$0x3] =	wrdreg s24  }
0xb1: {  	[dreg:$0x4] =	wrdreg s18  }
0xb2: {  	[dreg:$0x5] =	wrdreg $0xA5000  }
0xb3: {  	[dreg:$0x6] =	wrdreg $0x9  }
0xb4: {  	_ =	task.clear_ibuf [dreg:s8], $0x7FFFF;
	_ =	strace $0x90000046  }
0xb5: {  	s29 =	simm.s32 $0x9;
	_ =	strace $0x80000048  }
0xb6: {  	_ =	swait.ge [sflag:s29], $0x1  }
0xb7: {  	[sflag:s29] =	ssyncadd.s32 $0xFFFFFFFF  }
0xb8: {  	_ =	strace $0x90000048  }
0xb9: {  	_ =	sfence  }
0xba: {  	s30 =	sld [smem:$0x0];
	_ =	sdelay $0x2  }
0xbb: {  	s31 =	sshll.u32 s1, $0xD;
	s1 =	sshrl.u32 s1, $0x2  }
0xbc: {  	s3 =	sand.u32 $0x4000, s31;
	s1 =	sadd.s32 s1, s30  }
0xbd: {  	s0 =	sor.u32 s3, s0;
	s1 =	sshll.u32 s1, $0x11  }
0xbe: {  	s0 =	sor.u32 s1, s0  }
0xbf: {  	s0 =	sadd.s32 $0x8F2B, s0  }
0xc0: {  	[sflag:s0] =	ssyncadd.remote.s32 $0x1  }
0xc1: {  	_ =	sfence.sel $0xFFFF  }
0xc2: {  	[dreg:$0x0] =	wrdreg $0xFFFFFFFF;
	(pc) =	sbr.abs _section_cstart, $3  }
0xc3: {  	[dreg:$0x1] =	wrdreg $0xFFFFFFFF  }
0xc4: {  	_ =	task.clear_ibuf [dreg:s8], $0x2FFFF;
	_ =	strace $0x9FFFFFFF  }
0xc5: {  	(tm) =	ssettm $0x7FFFFFFF  }
tec
execute0_lowered:
.L_overlay_start_1:
0x0: {  	(tag) =	ssettag $0x1  }
0x1: {  	s0 =	rddreg [dreg:$0x0]  }
0x2: {  	s1 =	rddreg [dreg:$0x1];
	s2 =	srdreg.scid  }
0x3: {  	s3 =	rddreg [dreg:$0x2];
	s13 =	stileid.u32  }
0x4: {  	s4 =	rddreg [dreg:$0x3];
	s5 =	simm.s32 $0x0;
	s11 =	smul.u32 $0x4E000, s13  }
0x5: {  	s2 =	sand.u32 $0x1, s2;
	[smem:$0x7FF] =	sst s5;
	s12 =	smul.u32 $0x2710, s13  }
0x6: {  	s24 =	smul.u32 $0x2700, s13;
	p0 =	sne.s32 s13, $0xF;
	s6 =	sshll.u32 s2, $0x4  }
0x7: {  	s7 =	ssub.s32 $0x2, s2;
	s22 =	smul.u32 $0x27100, s2;
	s6 =	sor.u32 s13, s6  }
0x8: {  	_ =	strace $0x80000047;
	s11 =	sshrl.u32 s11, $0x2;
	s8 =	smul.u32 $0x2710, s6  }
0x9: {  	s9 =	sshrl.u32 s7, $0x1;
	s6 =	sadd.s32 $0x200, s1;
	s25 =	sadd.s32 s11, s4  }
0xa: {  	s13 =	sadd.s32 $0x1800, s25;
	[dreg:$0x15] =	wrdreg s25;
	s8 =	sshrl.u32 s8, $0x3  }
0xb: {  	s1 =	sadd.s32 $0xA000, s1;
	[dreg:$0x1e] =	wrdreg s13;
	s15 =	sadd.s32 s6, s8  }
0xc: {  	s16 =	sadd.s32 s3, s8;
	s17 =	sadd.s32 $0x10, s8;
	[dreg:$0xb] =	wrdreg s15  }
0xd: {  	s7 =	ssub.s32 s7, s9;
	[dreg:$0xc] =	wrdreg s16;
	s10 =	sadd.s32 s6, s17  }
0xe: {  	s18 =	sadd.s32 $0x20, s8;
	s9 =	sadd.s32 s3, s17;
	[dreg:$0xd] =	wrdreg s10  }
0xf: {  	s20 =	sadd.s32 $0x30, s8;
	s19 =	sadd.s32 s6, s18;
	[dreg:$0xe] =	wrdreg s9  }
0x10: {  	s23 =	sadd.s32 $0x4E0, s8;
	s21 =	sadd.s32 s6, s20;
	[dreg:$0xf] =	wrdreg s19  }
0x11: {  	s12 =	sadd.s32 s12, s22;
	s14 =	sadd.s32 s6, s23;
	[dreg:$0x11] =	wrdreg s21  }
0x12: {  	s26 =	sadd.s32 $0x380, s12;
	s9 =	sadd.s32 s3, s18;
	[dreg:$0x13] =	wrdreg s14  }
0x13: {  	s10 =	sadd.s32 s3, s20;
	s14 =	sadd.s32 $0x300, s12;
	[dreg:$0x10] =	wrdreg s9  }
0x14: {  	s18 =	sadd.s32 $0x280, s12;
	s12 =	sadd.s32 $0x200, s12;
	[dreg:$0x12] =	wrdreg s10  }
0x15: {  	s21 =	sadd.s32 $0x4C0, s8;
	s10 =	sadd.s32 s3, s23;
	[dreg:$0x1d] =	wrdreg s12  }
0x16: {  	s9 =	sadd.s32 s24, s22;
	s23 =	sadd.s32 s6, s21;
	[dreg:$0x14] =	wrdreg s10  }
0x17: {  	s16 =	sshrl.u32 s14, $0x3;
	s14 =	sadd.s32 $0x3000, s25;
	[dreg:$0x17] =	wrdreg s23  }
0x18: {  	s20 =	sshrl.u32 s18, $0x3;
	s18 =	sadd.s32 $0x9000, s25;
	[dreg:$0x1f] =	wrdreg s14  }
0x19: {  	s9 =	sadd.s32 s1, s9;
	[smem:$0x7F6] =	sst s18  }
0x1a: {  	s17 =	sadd.s32 s16, s3;
	[dreg:$0x16] =	wrdreg s9  }
0x1b: {  	s28 =	simm.s32 $0xA;
	s19 =	sadd.s32 s16, s6;
	[dreg:$0x7] =	wrdreg s17  }
0x1c: {  	s29 =	simm.s32 $0x2;
	s22 =	sadd.s32 s20, s3;
	[dreg:$0x8] =	wrdreg s19  }
0x1d: {  	s10 =	sshrl.u32 s26, $0x3;
	s26 =	sadd.s32 s3, s21;
	[dreg:$0x9] =	wrdreg s22  }
0x1e: {  	s30 =	simm.s32 $0x4400;
	s24 =	sadd.s32 s20, s6;
	[dreg:$0x18] =	wrdreg s26  }
0x1f: {  	s2 =	smul.u32 $0x138800, s2;
	s16 =	sadd.s32 $0x6000, s25;
	[dreg:$0xa] =	wrdreg s24  }
0x20: {  	s31 =	simm.s32 $0x5;
	s20 =	sadd.s32 $0xC000, s25;
	[smem:$0x7F4] =	sst s16  }
0x21: {  	s2 =	sshrl.u32 s2, $0x3;
	s21 =	sadd.s32 $0xD800, s25;
	[smem:$0x7F8] =	sst s20  }
0x22: {  	s13 =	simm.s32 $0x200;
	s23 =	sadd.s32 $0x10800, s25;
	[smem:$0x7F9] =	sst s21  }
0x23: {  	s8 =	sadd.s32 $0x4D0, s8;
	s11 =	sadd.s32 s10, s3;
	[smem:$0x7FB] =	sst s23  }
0x24: {  	s1 =	sadd.s32 s1, s2;
	s15 =	sadd.s32 s10, s6;
	[dreg:$0x5] =	wrdreg s11  }
0x25: {  	s14 =	simm.s32 $0x80;
	s9 =	sadd.s32 s6, s8;
	[dreg:$0x6] =	wrdreg s15  }
0x26: {  	s18 =	simm.s32 $0x300;
	s10 =	sadd.s32 s3, s8;
	[dreg:$0x19] =	wrdreg s9  }
0x27: {  	s2 =	simm.s32 $0x7;
	s1 =	sadd.s32 $0x27000, s1;
	[dreg:$0x1a] =	wrdreg s10  }
0x28: {  	s17 =	sadd.s32 $0x7800, s25;
	s19 =	sadd.s32 $0xA800, s25;
	[dreg:$0x1b] =	wrdreg s1  }
0x29: {  	s22 =	sadd.s32 $0xF000, s25;
	s24 =	sadd.s32 $0x12000, s25;
	[smem:$0x7F5] =	sst s17  }
0x2a: {  	s26 =	sadd.s32 $0x138000, s4;
	s16 =	simm.s32 $0x100;
	[smem:$0x7F7] =	sst s19  }
0x2b: {  	s20 =	simm.s32 $0x380;
	s23 =	simm.s32 $0x8D00;
	[smem:$0x7FA] =	sst s22  }
0x2c: {  	s8 =	simm.s32 $0x4;
	s11 =	smax.u32 s7, $0x1;
	[smem:$0x7FC] =	sst s24  }
0x2d: {  	s15 =	sadd.s32 $0x4800, s25;
	[smem:$0x7FD] =	sst s26;
	s19 =	simm.s32 $0x180  }
0x2e: {  	s22 =	simm.s32 $0x8400;
	s17 =	simm.s32 $0x8480;
	s24 =	simm.s32 $0x1  }
0x2f: {  	s26 =	simm.s32 $0x400;
	s1 =	simm.s32 $0x3;
	s7 =	simm.s32 $0x6  }
0x30: {  	s9 =	simm.s32 $0x8;
	s10 =	simm.s32 $0x9;
	[dreg:$0x1c] =	wrdreg s11  }
0x31: {  	v0 =	vimm.f32 $0.0e+00;
	[smem:$0x7F3] =	sst s15;
	s15 =	simm.s32 $0x280;
	s11 =	simm.s32 $0x0  }
.LBB2_1:
0x32: {  	s12 =	rddreg [dreg:$0xb]  }
0x33: {  	[tilespmem:s5], [sflag:$0x1] =	stream.linear.gather [hbm4b:s12+s5], $0x80, $0x38;
	[tilespmem:$0x1DD80] =	vst v63  }
0x34: {  	s21 =	rddreg [dreg:$0xc]  }
0x35: {  	[tilespmem:s13], [sflag:$0x1] =	stream.linear.gather [hbm4b:s21+s5], $0x80, $0x38;
	[tilespmem:$0x1DD80] =	vst v63  }
0x36: {  	s21 =	rddreg [dreg:$0xd]  }
0x37: {  	[tilespmem:s14], [sflag:$0x2] =	stream.linear.gather [hbm4b:s21+s5], $0x80, $0x38;
	[tilespmem:$0x1DD80] =	vst v63  }
0x38: {  	s21 =	rddreg [dreg:$0xe]  }
0x39: {  	[tilespmem:s15], [sflag:$0x2] =	stream.linear.gather [hbm4b:s21+s5], $0x80, $0x38;
	[tilespmem:$0x1DD80] =	vst v63  }
0x3a: {  	s21 =	rddreg [dreg:$0xf]  }
0x3b: {  	[tilespmem:s16], [sflag:$0x3] =	stream.linear.gather [hbm4b:s21+s5], $0x80, $0x38;
	[tilespmem:$0x1DD80] =	vst v63  }
0x3c: {  	s21 =	rddreg [dreg:$0x10]  }
0x3d: {  	[tilespmem:s18], [sflag:$0x3] =	stream.linear.gather [hbm4b:s21+s5], $0x80, $0x38;
	[tilespmem:$0x1DD80] =	vst v63  }
0x3e: {  	s21 =	rddreg [dreg:$0x11]  }
0x3f: {  	[tilespmem:s19], [sflag:$0x4] =	stream.linear.gather [hbm4b:s21+s5], $0x80, $0x38;
	[tilespmem:$0x1DD80] =	vst v63  }
0x40: {  	s21 =	rddreg [dreg:$0x12]  }
0x41: {  	[tilespmem:s20], [sflag:$0x4] =	stream.linear.gather [hbm4b:s21+s5], $0x80, $0x38;
	[tilespmem:$0x1DD80] =	vst v63  }
0x42: {  	s21 =	rddreg [dreg:$0x13]  }
0x43: {  	[tilespmem:s22], [sflag:$0x9] =	stream.linear.gather [hbm4b:s21+s5], $0x10, $0x38;
	[tilespmem:$0x1DD80] =	vst v63  }
0x44: {  	s22 =	rddreg [dreg:$0x14]  }
0x45: {  	[tilespmem:s17], [sflag:$0x9] =	stream.linear.gather [hbm4b:s22+s5], $0x10, $0x38;
	[tilespmem:$0x1DD80] =	vst v63  }
0x46: {  	s21 =	simm.s32 $0x0;
	s22 =	simm.s32 $0x200  }
.LBB2_2:
0x47: {  	p1 =	sne.s32 s22, $0x5E00;
	[tilespmem:s21+$0x8D70] =	vst v0  }
0x48: {  	[tilespmem:s21+$0x8D00] =	vst v0  }
0x49: {  	[tilespmem:s21+$0x8D10] =	vst v0  }
.Ltmp0:
0x4a: {  	[tilespmem:s21+$0x8D20] =	vst v0;
	(pc) =	sbr.rel @p1 .LBB2_2-.Ltmp0, $4  }
0x4b: {  	[tilespmem:s21+$0x8D30] =	vst v0  }
0x4c: {  	[tilespmem:s21+$0x8D40] =	vst v0  }
0x4d: {  	[tilespmem:s21+$0x8D50] =	vst v0  }
0x4e: {  	[tilespmem:s21+$0x8D60] =	vst v0;
	s21 =	sshra.s32 s22, $0x2;
	s22 =	sadd.s32 $0x200, s22  }
0x4f: {  	[tilespmem:s21+$0x8D70] =	vst v0  }
0x50: {  	[tilespmem:s21+$0x8D00] =	vst v0  }
0x51: {  	[tilespmem:s21+$0x8D10] =	vst v0  }
0x52: {  	[tilespmem:s21+$0x8D20] =	vst v0  }
0x53: {  	[tilespmem:s21+$0x8D30] =	vst v0  }
0x54: {  	[tilespmem:s21+$0x8D40] =	vst v0  }
0x55: {  	[tilespmem:s21+$0x8D50] =	vst v0  }
0x56: {  	[tilespmem:s21+$0x8D60] =	vst v0;
	s12 =	rddreg [dreg:$0x1e]  }
0x57: {  	[spmem:s25] =	stream.linear.scatter [tilespmem:s23], [sflag:$0xA], $0x1800, $0x38;
	[tilespmem:$0x1DD80] =	vst v63  }
0x58: {  	s21 =	rddreg [dreg:$0x1f]  }
0x59: {  	[spmem:s12] =	stream.linear.scatter [tilespmem:s23], [sflag:$0xA], $0x1800, $0x38;
	[tilespmem:$0x1DD80] =	vst v63  }
0x5a: {  	s22 =	sld [smem:$0x7F3]  }
0x5b: {  	[spmem:s21] =	stream.linear.scatter [tilespmem:s23], [sflag:$0xA], $0x1800, $0x38;
	[tilespmem:$0x1DD80] =	vst v63  }
0x5c: {  	s25 =	sld [smem:$0x7F4]  }
0x5d: {  	[spmem:s22] =	stream.linear.scatter [tilespmem:s23], [sflag:$0xA], $0x1800, $0x38;
	[tilespmem:$0x1DD80] =	vst v63  }
0x5e: {  	s17 =	sld [smem:$0x7F5]  }
0x5f: {  	[spmem:s25] =	stream.linear.scatter [tilespmem:s23], [sflag:$0xA], $0x1800, $0x38;
	[tilespmem:$0x1DD80] =	vst v63  }
0x60: {  	s21 =	sld [smem:$0x7F6]  }
0x61: {  	[spmem:s17] =	stream.linear.scatter [tilespmem:s23], [sflag:$0xA], $0x1800, $0x38;
	[tilespmem:$0x1DD80] =	vst v63  }
0x62: {  	s22 =	sld [smem:$0x7F7]  }
0x63: {  	[spmem:s21] =	stream.linear.scatter [tilespmem:s23], [sflag:$0xA], $0x1800, $0x38;
	[tilespmem:$0x1DD80] =	vst v63  }
0x64: {  	s25 =	sld [smem:$0x7F8]  }
0x65: {  	[spmem:s22] =	stream.linear.scatter [tilespmem:s23], [sflag:$0xA], $0x1800, $0x38;
	[tilespmem:$0x1DD80] =	vst v63  }
0x66: {  	s17 =	sld [smem:$0x7F9]  }
0x67: {  	[spmem:s25] =	stream.linear.scatter [tilespmem:s23], [sflag:$0xA], $0x1800, $0x38;
	[tilespmem:$0x1DD80] =	vst v63  }
0x68: {  	s21 =	sld [smem:$0x7FA]  }
0x69: {  	[spmem:s17] =	stream.linear.scatter [tilespmem:s23], [sflag:$0xA], $0x1800, $0x38;
	[tilespmem:$0x1DD80] =	vst v63  }
0x6a: {  	s22 =	sld [smem:$0x7FB]  }
0x6b: {  	[spmem:s21] =	stream.linear.scatter [tilespmem:s23], [sflag:$0xA], $0x1800, $0x38;
	[tilespmem:$0x1DD80] =	vst v63  }
0x6c: {  	s25 =	sld [smem:$0x7FC]  }
0x6d: {  	[spmem:s22] =	stream.linear.scatter [tilespmem:s23], [sflag:$0xA], $0x1800, $0x38;
	[tilespmem:$0x1DD80] =	vst v63  }
0x6e: {  	s12 =	sld [smem:$0x7FD]  }
0x6f: {  	[spmem:s25] =	stream.linear.scatter [tilespmem:s23], [sflag:$0xA], $0x1800, $0x38;
	[tilespmem:$0x1DD80] =	vst v63  }
0x70: {  	s21 =	simm.s32 @!p0 $0x8D00  }
0x71: {  	[spmem:s12] =	stream.linear.scatter @!p0 [tilespmem:s21], [sflag:$0xA], $0x800, $0x38;
	[tilespmem:$0x1DD80] =	vst v63  }
0x72: {  	_ =	swait.ge [sflag:s24], $0x80  }
0x73: {  	[sflag:s24] =	ssyncset.done $0x0  }
0x74: {  	[sflag:s24] =	ssyncadd.s32 $0xFFFFFF80  }
0x75: {  	_ =	swait.ge [sflag:s24], $0x80  }
0x76: {  	[sflag:s24] =	ssyncset.done $0x0  }
0x77: {  	[sflag:s24] =	ssyncadd.s32 $0xFFFFFF80  }
0x78: {  	[tilespmem:s26], [sflag:$0x5] =	stream.indirect.gather [hbm4b:s0+s14], $0x80, s5, s14, $0xb8;
	[tilespmem:$0x1DD80] =	vst v63  }
0x79: {  	_ =	swait.ge [sflag:s28], $0x1800  }
0x7a: {  	[sflag:s28] =	ssyncset.done $0x0  }
0x7b: {  	[sflag:s28] =	ssyncadd.s32 $0xFFFFE800  }
0x7c: {  	_ =	swait.ge [sflag:s28], $0x1800  }
0x7d: {  	[sflag:s28] =	ssyncset.done $0x0  }
0x7e: {  	[sflag:s28] =	ssyncadd.s32 $0xFFFFE800  }
0x7f: {  	_ =	swait.ge [sflag:s28], $0x1800  }
0x80: {  	[sflag:s28] =	ssyncset.done $0x0  }
0x81: {  	[sflag:s28] =	ssyncadd.s32 $0xFFFFE800  }
0x82: {  	_ =	swait.ge [sflag:s28], $0x1800  }
0x83: {  	[sflag:s28] =	ssyncset.done $0x0  }
0x84: {  	[sflag:s28] =	ssyncadd.s32 $0xFFFFE800  }
0x85: {  	_ =	swait.ge [sflag:s28], $0x1800  }
0x86: {  	[sflag:s28] =	ssyncset.done $0x0  }
0x87: {  	[sflag:s28] =	ssyncadd.s32 $0xFFFFE800  }
0x88: {  	_ =	swait.ge [sflag:s28], $0x1800  }
0x89: {  	[sflag:s28] =	ssyncset.done $0x0  }
0x8a: {  	[sflag:s28] =	ssyncadd.s32 $0xFFFFE800  }
0x8b: {  	_ =	swait.ge [sflag:s28], $0x1800  }
0x8c: {  	[sflag:s28] =	ssyncset.done $0x0  }
0x8d: {  	[sflag:s28] =	ssyncadd.s32 $0xFFFFE800  }
0x8e: {  	_ =	swait.ge [sflag:s28], $0x1800  }
0x8f: {  	[sflag:s28] =	ssyncset.done $0x0  }
0x90: {  	[sflag:s28] =	ssyncadd.s32 $0xFFFFE800  }
0x91: {  	_ =	swait.ge [sflag:s28], $0x1800  }
0x92: {  	[sflag:s28] =	ssyncset.done $0x0  }
0x93: {  	[sflag:s28] =	ssyncadd.s32 $0xFFFFE800  }
0x94: {  	_ =	swait.ge [sflag:s28], $0x1800  }
0x95: {  	[sflag:s28] =	ssyncset.done $0x0  }
0x96: {  	[sflag:s28] =	ssyncadd.s32 $0xFFFFE800  }
0x97: {  	_ =	swait.ge [sflag:s28], $0x1800  }
0x98: {  	[sflag:s28] =	ssyncset.done $0x0  }
0x99: {  	[sflag:s28] =	ssyncadd.s32 $0xFFFFE800  }
0x9a: {  	_ =	swait.ge [sflag:s28], $0x1800  }
0x9b: {  	[sflag:s28] =	ssyncset.done $0x0  }
0x9c: {  	[sflag:s28] =	ssyncadd.s32 $0xFFFFE800  }
0x9d: {  	_ =	swait.ge [sflag:s28], $0x1800  }
0x9e: {  	[sflag:s28] =	ssyncset.done $0x0  }
0x9f: {  	s21 =	simm.s32 @!p0 $0xA;
	[sflag:s28] =	ssyncadd.s32 $0xFFFFE800  }
0xa0: {  	_ =	swait.ge @!p0 [sflag:s21], $0x800  }
0xa1: {  	[sflag:s21] =	ssyncset.done @!p0 $0x0  }
0xa2: {  	[sflag:s21] =	ssyncadd.s32 @!p0 $0xFFFFF800  }
0xa3: {  	[bflag:$0x0] =	sbarrier.arrive $0xFFFF  }
0xa4: {  	_ =	swait.ge [sflag:s29], $0x80  }
0xa5: {  	[sflag:s29] =	ssyncset.done $0x0  }
0xa6: {  	[sflag:s29] =	ssyncadd.s32 $0xFFFFFF80  }
0xa7: {  	_ =	swait.ge [sflag:s29], $0x80  }
0xa8: {  	[sflag:s29] =	ssyncset.done $0x0  }
0xa9: {  	[sflag:s29] =	ssyncadd.s32 $0xFFFFFF80  }
0xaa: {  	[tilespmem:s30], [sflag:$0x6] =	stream.indirect.gather [hbm4b:s0+s14], $0x80, s14, s14, $0xb8;
	[tilespmem:$0x1DD80] =	vst v63  }
0xab: {  	_ =	swait.ge [sflag:s31], $0x4000  }
0xac: {  	[sflag:s31] =	ssyncset.done $0x0  }
0xad: {  	[sflag:s31] =	ssyncadd.s32 $0xFFFFC000  }
0xae: {  	[spmem:s4] =	stream.indirect.scatter.add.f32 [tilespmem:s26], [sflag:$0x7], $0x80, s13, s14, $0xb8;
	[tilespmem:$0x1DD80] =	vst v63  }
0xaf: {  	_ =	swait.ge [sflag:s1], $0x80  }
0xb0: {  	[sflag:s1] =	ssyncset.done $0x0  }
0xb1: {  	[sflag:s1] =	ssyncadd.s32 $0xFFFFFF80  }
0xb2: {  	_ =	swait.ge [sflag:s1], $0x80  }
0xb3: {  	[sflag:s1] =	ssyncset.done $0x0  }
0xb4: {  	[sflag:s1] =	ssyncadd.s32 $0xFFFFFF80  }
0xb5: {  	_ =	swait.ge [sflag:s2], $0x4000  }
0xb6: {  	[sflag:s2] =	ssyncset.done $0x0  }
0xb7: {  	[sflag:s2] =	ssyncadd.s32 $0xFFFFC000  }
0xb8: {  	[tilespmem:s26], [sflag:$0x5] =	stream.indirect.gather [hbm4b:s0+s14], $0x80, s16, s14, $0xb8;
	[tilespmem:$0x1DD80] =	vst v63  }
0xb9: {  	_ =	swait.ge [sflag:s7], $0x4000  }
0xba: {  	[sflag:s7] =	ssyncset.done $0x0;
	s12 =	rddreg [dreg:$0x1d]  }
0xbb: {  	[sflag:s7] =	ssyncadd.s32 $0xFFFFC000;
	s17 =	sshrl.u32 s12, $0x3  }
0xbc: {  	[spmem:s4] =	stream.indirect.scatter.add.f32 [tilespmem:s30], [sflag:$0x8], $0x80, s15, s14, $0xb8;
	[tilespmem:$0x1DD80] =	vst v63  }
0xbd: {  	s22 =	sadd.s32 s6, s17  }
0xbe: {  	[tilespmem:s5], [sflag:$0x1] =	stream.linear.gather [hbm4b:s22+s5], $0x80, $0x38;
	[tilespmem:$0x1DD80] =	vst v63  }
0xbf: {  	s21 =	sadd.s32 s3, s17  }
0xc0: {  	[tilespmem:s13], [sflag:$0x1] =	stream.linear.gather [hbm4b:s21+s5], $0x80, $0x38;
	[tilespmem:$0x1DD80] =	vst v63  }
0xc1: {  	_ =	swait.ge [sflag:s8], $0x80  }
0xc2: {  	[sflag:s8] =	ssyncset.done $0x0  }
0xc3: {  	[sflag:s8] =	ssyncadd.s32 $0xFFFFFF80  }
0xc4: {  	_ =	swait.ge [sflag:s8], $0x80  }
0xc5: {  	[sflag:s8] =	ssyncset.done $0x0  }
0xc6: {  	[sflag:s8] =	ssyncadd.s32 $0xFFFFFF80  }
0xc7: {  	_ =	swait.ge [sflag:s9], $0x4000  }
0xc8: {  	[sflag:s9] =	ssyncset.done $0x0  }
0xc9: {  	[sflag:s9] =	ssyncadd.s32 $0xFFFFC000  }
0xca: {  	[tilespmem:s30], [sflag:$0x6] =	stream.indirect.gather [hbm4b:s0+s14], $0x80, s19, s14, $0xb8;
	[tilespmem:$0x1DD80] =	vst v63  }
0xcb: {  	_ =	swait.ge [sflag:s31], $0x4000  }
0xcc: {  	[sflag:s31] =	ssyncset.done $0x0  }
0xcd: {  	s22 =	rddreg [dreg:$0xa];
	[sflag:s31] =	ssyncadd.s32 $0xFFFFC000  }
0xce: {  	[spmem:s4] =	stream.indirect.scatter.add.f32 [tilespmem:s26], [sflag:$0x7], $0x80, s18, s14, $0xb8;
	[tilespmem:$0x1DD80] =	vst v63  }
0xcf: {  	s25 =	rddreg [dreg:$0x9];
	s21 =	sadd.s32 $0x0, s22  }
0xd0: {  	[tilespmem:s14], [sflag:$0x2] =	stream.linear.gather [hbm4b:s21+s5], $0x80, $0x38;
	[tilespmem:$0x1DD80] =	vst v63  }
0xd1: {  	s17 =	sadd.s32 $0x0, s25  }
0xd2: {  	[tilespmem:s15], [sflag:$0x2] =	stream.linear.gather [hbm4b:s17+s5], $0x80, $0x38;
	[tilespmem:$0x1DD80] =	vst v63  }
0xd3: {  	_ =	swait.ge [sflag:s24], $0x80  }
0xd4: {  	[sflag:s24] =	ssyncset.done $0x0  }
0xd5: {  	[sflag:s24] =	ssyncadd.s32 $0xFFFFFF80  }
0xd6: {  	_ =	swait.ge [sflag:s24], $0x80  }
0xd7: {  	[sflag:s24] =	ssyncset.done $0x0  }
0xd8: {  	[sflag:s24] =	ssyncadd.s32 $0xFFFFFF80  }
0xd9: {  	_ =	swait.ge [sflag:s2], $0x4000  }
0xda: {  	[sflag:s2] =	ssyncset.done $0x0  }
0xdb: {  	[sflag:s2] =	ssyncadd.s32 $0xFFFFC000  }
0xdc: {  	[tilespmem:s26], [sflag:$0x5] =	stream.indirect.gather [hbm4b:s0+s14], $0x80, s5, s14, $0xb8;
	[tilespmem:$0x1DD80] =	vst v63  }
0xdd: {  	_ =	swait.ge [sflag:s7], $0x4000  }
0xde: {  	[sflag:s7] =	ssyncset.done $0x0  }
0xdf: {  	s22 =	rddreg [dreg:$0x8];
	[sflag:s7] =	ssyncadd.s32 $0xFFFFC000  }
0xe0: {  	[spmem:s4] =	stream.indirect.scatter.add.f32 [tilespmem:s30], [sflag:$0x8], $0x80, s20, s14, $0xb8;
	[tilespmem:$0x1DD80] =	vst v63  }
0xe1: {  	s25 =	rddreg [dreg:$0x7];
	s21 =	sadd.s32 $0x0, s22  }
0xe2: {  	[tilespmem:s16], [sflag:$0x3] =	stream.linear.gather [hbm4b:s21+s5], $0x80, $0x38;
	[tilespmem:$0x1DD80] =	vst v63  }
0xe3: {  	s17 =	sadd.s32 $0x0, s25  }
0xe4: {  	[tilespmem:s18], [sflag:$0x3] =	stream.linear.gather [hbm4b:s17+s5], $0x80, $0x38;
	[tilespmem:$0x1DD80] =	vst v63  }
0xe5: {  	_ =	swait.ge [sflag:s29], $0x80  }
0xe6: {  	[sflag:s29] =	ssyncset.done $0x0  }
0xe7: {  	[sflag:s29] =	ssyncadd.s32 $0xFFFFFF80  }
0xe8: {  	_ =	swait.ge [sflag:s29], $0x80  }
0xe9: {  	[sflag:s29] =	ssyncset.done $0x0  }
0xea: {  	[sflag:s29] =	ssyncadd.s32 $0xFFFFFF80  }
0xeb: {  	_ =	swait.ge [sflag:s9], $0x4000  }
0xec: {  	[sflag:s9] =	ssyncset.done $0x0  }
0xed: {  	[sflag:s9] =	ssyncadd.s32 $0xFFFFC000  }
0xee: {  	[tilespmem:s30], [sflag:$0x6] =	stream.indirect.gather [hbm4b:s0+s14], $0x80, s14, s14, $0xb8;
	[tilespmem:$0x1DD80] =	vst v63  }
0xef: {  	_ =	swait.ge [sflag:s31], $0x4000  }
0xf0: {  	[sflag:s31] =	ssyncset.done $0x0  }
0xf1: {  	s22 =	rddreg [dreg:$0x6];
	[sflag:s31] =	ssyncadd.s32 $0xFFFFC000  }
0xf2: {  	[spmem:s4] =	stream.indirect.scatter.add.f32 [tilespmem:s26], [sflag:$0x7], $0x80, s13, s14, $0xb8;
	[tilespmem:$0x1DD80] =	vst v63  }
0xf3: {  	s25 =	rddreg [dreg:$0x5];
	s21 =	sadd.s32 $0x0, s22  }
0xf4: {  	[tilespmem:s19], [sflag:$0x4] =	stream.linear.gather [hbm4b:s21+s5], $0x80, $0x38;
	[tilespmem:$0x1DD80] =	vst v63  }
0xf5: {  	s25 =	sadd.s32 $0x0, s25;
	s22 =	sadd.s32 $0x200, s12;
	s21 =	simm.s32 $0x40  }
.LBB2_4:
0xf6: {  	[tilespmem:s20], [sflag:$0x4] =	stream.linear.gather [hbm4b:s25+s5], $0x80, $0x38;
	[tilespmem:$0x1DD80] =	vst v63  }
0xf7: {  	_ =	swait.ge [sflag:s1], $0x80  }
0xf8: {  	[sflag:s1] =	ssyncset.done $0x0  }
0xf9: {  	[sflag:s1] =	ssyncadd.s32 $0xFFFFFF80  }
0xfa: {  	_ =	swait.ge [sflag:s1], $0x80  }
0xfb: {  	[sflag:s1] =	ssyncset.done $0x0  }
0xfc: {  	[sflag:s1] =	ssyncadd.s32 $0xFFFFFF80  }
0xfd: {  	_ =	swait.ge [sflag:s2], $0x4000  }
0xfe: {  	[sflag:s2] =	ssyncset.done $0x0  }
0xff: {  	[sflag:s2] =	ssyncadd.s32 $0xFFFFC000  }
0x100: {  	[tilespmem:s26], [sflag:$0x5] =	stream.indirect.gather [hbm4b:s0+s14], $0x80, s16, s14, $0xb8;
	[tilespmem:$0x1DD80] =	vst v63  }
0x101: {  	_ =	swait.ge [sflag:s7], $0x4000  }
0x102: {  	[sflag:s7] =	ssyncset.done $0x0  }
0x103: {  	s12 =	sshrl.u32 s22, $0x3;
	[sflag:s7] =	ssyncadd.s32 $0xFFFFC000  }
0x104: {  	[spmem:s4] =	stream.indirect.scatter.add.f32 [tilespmem:s30], [sflag:$0x8], $0x80, s15, s14, $0xb8;
	[tilespmem:$0x1DD80] =	vst v63  }
0x105: {  	s17 =	sadd.s32 s6, s12  }
0x106: {  	[tilespmem:s5], [sflag:$0x1] =	stream.linear.gather [hbm4b:s17+s5], $0x80, $0x38;
	[tilespmem:$0x1DD80] =	vst v63  }
0x107: {  	s12 =	sadd.s32 s3, s12  }
0x108: {  	[tilespmem:s13], [sflag:$0x1] =	stream.linear.gather [hbm4b:s12+s5], $0x80, $0x38;
	[tilespmem:$0x1DD80] =	vst v63  }
0x109: {  	_ =	swait.ge [sflag:s8], $0x80  }
0x10a: {  	[sflag:s8] =	ssyncset.done $0x0  }
0x10b: {  	[sflag:s8] =	ssyncadd.s32 $0xFFFFFF80  }
0x10c: {  	_ =	swait.ge [sflag:s8], $0x80  }
0x10d: {  	[sflag:s8] =	ssyncset.done $0x0  }
0x10e: {  	[sflag:s8] =	ssyncadd.s32 $0xFFFFFF80  }
0x10f: {  	_ =	swait.ge [sflag:s9], $0x4000  }
0x110: {  	[sflag:s9] =	ssyncset.done $0x0  }
0x111: {  	[sflag:s9] =	ssyncadd.s32 $0xFFFFC000  }
0x112: {  	[tilespmem:s30], [sflag:$0x6] =	stream.indirect.gather [hbm4b:s0+s14], $0x80, s19, s14, $0xb8;
	[tilespmem:$0x1DD80] =	vst v63  }
0x113: {  	_ =	swait.ge [sflag:s31], $0x4000  }
0x114: {  	[sflag:s31] =	ssyncset.done $0x0  }
0x115: {  	s25 =	smov.u32 s21;
	s12 =	rddreg [dreg:$0xa];
	[sflag:s31] =	ssyncadd.s32 $0xFFFFC000  }
0x116: {  	[spmem:s4] =	stream.indirect.scatter.add.f32 [tilespmem:s26], [sflag:$0x7], $0x80, s18, s14, $0xb8;
	[tilespmem:$0x1DD80] =	vst v63  }
0x117: {  	s17 =	rddreg [dreg:$0x9];
	s12 =	sadd.s32 s25, s12  }
0x118: {  	[tilespmem:s14], [sflag:$0x2] =	stream.linear.gather [hbm4b:s12+s5], $0x80, $0x38;
	[tilespmem:$0x1DD80] =	vst v63  }
0x119: {  	s17 =	sadd.s32 s25, s17  }
0x11a: {  	[tilespmem:s15], [sflag:$0x2] =	stream.linear.gather [hbm4b:s17+s5], $0x80, $0x38;
	[tilespmem:$0x1DD80] =	vst v63  }
0x11b: {  	_ =	swait.ge [sflag:s24], $0x80  }
0x11c: {  	[sflag:s24] =	ssyncset.done $0x0  }
0x11d: {  	[sflag:s24] =	ssyncadd.s32 $0xFFFFFF80  }
0x11e: {  	_ =	swait.ge [sflag:s24], $0x80  }
0x11f: {  	[sflag:s24] =	ssyncset.done $0x0  }
0x120: {  	[sflag:s24] =	ssyncadd.s32 $0xFFFFFF80  }
0x121: {  	_ =	swait.ge [sflag:s2], $0x4000  }
0x122: {  	[sflag:s2] =	ssyncset.done $0x0  }
0x123: {  	[sflag:s2] =	ssyncadd.s32 $0xFFFFC000  }
0x124: {  	[tilespmem:s26], [sflag:$0x5] =	stream.indirect.gather [hbm4b:s0+s14], $0x80, s5, s14, $0xb8;
	[tilespmem:$0x1DD80] =	vst v63  }
0x125: {  	_ =	swait.ge [sflag:s7], $0x4000  }
0x126: {  	[sflag:s7] =	ssyncset.done $0x0  }
0x127: {  	s12 =	rddreg [dreg:$0x8];
	[sflag:s7] =	ssyncadd.s32 $0xFFFFC000  }
0x128: {  	[spmem:s4] =	stream.indirect.scatter.add.f32 [tilespmem:s30], [sflag:$0x8], $0x80, s20, s14, $0xb8;
	[tilespmem:$0x1DD80] =	vst v63  }
0x129: {  	s17 =	rddreg [dreg:$0x7];
	s12 =	sadd.s32 s25, s12  }
0x12a: {  	[tilespmem:s16], [sflag:$0x3] =	stream.linear.gather [hbm4b:s12+s5], $0x80, $0x38;
	[tilespmem:$0x1DD80] =	vst v63  }
0x12b: {  	s17 =	sadd.s32 s25, s17  }
0x12c: {  	[tilespmem:s18], [sflag:$0x3] =	stream.linear.gather [hbm4b:s17+s5], $0x80, $0x38;
	[tilespmem:$0x1DD80] =	vst v63  }
0x12d: {  	_ =	swait.ge [sflag:s29], $0x80  }
0x12e: {  	[sflag:s29] =	ssyncset.done $0x0  }
0x12f: {  	[sflag:s29] =	ssyncadd.s32 $0xFFFFFF80  }
0x130: {  	_ =	swait.ge [sflag:s29], $0x80  }
0x131: {  	[sflag:s29] =	ssyncset.done $0x0  }
0x132: {  	[sflag:s29] =	ssyncadd.s32 $0xFFFFFF80  }
0x133: {  	_ =	swait.ge [sflag:s9], $0x4000  }
0x134: {  	[sflag:s9] =	ssyncset.done $0x0  }
0x135: {  	[sflag:s9] =	ssyncadd.s32 $0xFFFFC000  }
0x136: {  	[tilespmem:s30], [sflag:$0x6] =	stream.indirect.gather [hbm4b:s0+s14], $0x80, s14, s14, $0xb8;
	[tilespmem:$0x1DD80] =	vst v63  }
0x137: {  	p1 =	sne.s32 s21, $0x440;
	_ =	swait.ge [sflag:s31], $0x4000  }
.Ltmp1:
0x138: {  	[sflag:s31] =	ssyncset.done $0x0;
	s12 =	rddreg [dreg:$0x6];
	(pc) =	sbr.rel @p1 .LBB2_4-.Ltmp1, $4  }
0x139: {  	s21 =	sadd.s32 $0x40, s21;
	s17 =	rddreg [dreg:$0x5];
	[sflag:s31] =	ssyncadd.s32 $0xFFFFC000  }
0x13a: {  	[spmem:s4] =	stream.indirect.scatter.add.f32 [tilespmem:s26], [sflag:$0x7], $0x80, s13, s14, $0xb8;
	[tilespmem:$0x1DD80] =	vst v63  }
0x13b: {  	s22 =	sadd.s32 $0x200, s22;
	s12 =	sadd.s32 s25, s12;
	s25 =	sadd.s32 s25, s17  }
0x13c: {  	[tilespmem:s19], [sflag:$0x4] =	stream.linear.gather [hbm4b:s12+s5], $0x80, $0x38;
	[tilespmem:$0x1DD80] =	vst v63  }
0x13d: {  	[tilespmem:s20], [sflag:$0x4] =	stream.linear.gather [hbm4b:s25+s5], $0x80, $0x38;
	[tilespmem:$0x1DD80] =	vst v63  }
0x13e: {  	_ =	swait.ge [sflag:s1], $0x80  }
0x13f: {  	[sflag:s1] =	ssyncset.done $0x0  }
0x140: {  	[sflag:s1] =	ssyncadd.s32 $0xFFFFFF80  }
0x141: {  	_ =	swait.ge [sflag:s1], $0x80  }
0x142: {  	[sflag:s1] =	ssyncset.done $0x0  }
0x143: {  	[sflag:s1] =	ssyncadd.s32 $0xFFFFFF80  }
0x144: {  	_ =	swait.ge [sflag:s2], $0x4000  }
0x145: {  	[sflag:s2] =	ssyncset.done $0x0  }
0x146: {  	[sflag:s2] =	ssyncadd.s32 $0xFFFFC000  }
0x147: {  	[tilespmem:s26], [sflag:$0x5] =	stream.indirect.gather [hbm4b:s0+s14], $0x80, s16, s14, $0xb8;
	[tilespmem:$0x1DD80] =	vst v63  }
0x148: {  	_ =	swait.ge [sflag:s7], $0x4000  }
0x149: {  	[sflag:s7] =	ssyncset.done $0x0  }
0x14a: {  	[sflag:s7] =	ssyncadd.s32 $0xFFFFC000  }
0x14b: {  	[spmem:s4] =	stream.indirect.scatter.add.f32 [tilespmem:s30], [sflag:$0x8], $0x80, s15, s14, $0xb8;
	[tilespmem:$0x1DD80] =	vst v63  }
0x14c: {  	s12 =	rddreg [dreg:$0x17]  }
0x14d: {  	[tilespmem:s5], [sflag:$0x1] =	stream.linear.gather [hbm4b:s12+s5], $0x80, $0x38;
	[tilespmem:$0x1DD80] =	vst v63  }
0x14e: {  	s17 =	rddreg [dreg:$0x18]  }
0x14f: {  	[tilespmem:s13], [sflag:$0x1] =	stream.linear.gather [hbm4b:s17+s5], $0x80, $0x38;
	[tilespmem:$0x1DD80] =	vst v63  }
0x150: {  	_ =	swait.ge [sflag:s8], $0x80  }
0x151: {  	[sflag:s8] =	ssyncset.done $0x0  }
0x152: {  	[sflag:s8] =	ssyncadd.s32 $0xFFFFFF80  }
0x153: {  	_ =	swait.ge [sflag:s8], $0x80  }
0x154: {  	[sflag:s8] =	ssyncset.done $0x0  }
0x155: {  	[sflag:s8] =	ssyncadd.s32 $0xFFFFFF80  }
0x156: {  	_ =	swait.ge [sflag:s9], $0x4000  }
0x157: {  	[sflag:s9] =	ssyncset.done $0x0  }
0x158: {  	[sflag:s9] =	ssyncadd.s32 $0xFFFFC000  }
0x159: {  	[tilespmem:s30], [sflag:$0x6] =	stream.indirect.gather [hbm4b:s0+s14], $0x80, s19, s14, $0xb8;
	[tilespmem:$0x1DD80] =	vst v63  }
0x15a: {  	_ =	swait.ge [sflag:s31], $0x4000  }
0x15b: {  	[sflag:s31] =	ssyncset.done $0x0  }
0x15c: {  	[sflag:s31] =	ssyncadd.s32 $0xFFFFC000  }
0x15d: {  	[spmem:s4] =	stream.indirect.scatter.add.f32 [tilespmem:s26], [sflag:$0x7], $0x80, s18, s14, $0xb8;
	[tilespmem:$0x1DD80] =	vst v63  }
0x15e: {  	s21 =	rddreg [dreg:$0x19]  }
0x15f: {  	[tilespmem:s14], [sflag:$0x2] =	stream.linear.gather [hbm4b:s21+s5], $0x80, $0x38;
	[tilespmem:$0x1DD80] =	vst v63  }
0x160: {  	s22 =	rddreg [dreg:$0x1a]  }
0x161: {  	[tilespmem:s15], [sflag:$0x2] =	stream.linear.gather [hbm4b:s22+s5], $0x80, $0x38;
	[tilespmem:$0x1DD80] =	vst v63  }
0x162: {  	_ =	swait.ge [sflag:s24], $0x80  }
0x163: {  	[sflag:s24] =	ssyncset.done $0x0  }
0x164: {  	[sflag:s24] =	ssyncadd.s32 $0xFFFFFF80  }
0x165: {  	_ =	swait.ge [sflag:s24], $0x80  }
0x166: {  	[sflag:s24] =	ssyncset.done $0x0  }
0x167: {  	[sflag:s24] =	ssyncadd.s32 $0xFFFFFF80  }
0x168: {  	_ =	swait.ge [sflag:s2], $0x4000  }
0x169: {  	[sflag:s2] =	ssyncset.done $0x0  }
0x16a: {  	[sflag:s2] =	ssyncadd.s32 $0xFFFFC000  }
0x16b: {  	[tilespmem:s26], [sflag:$0x5] =	stream.indirect.gather [hbm4b:s0+s14], $0x80, s5, s14, $0xb8;
	[tilespmem:$0x1DD80] =	vst v63  }
0x16c: {  	_ =	swait.ge [sflag:s7], $0x4000  }
0x16d: {  	[sflag:s7] =	ssyncset.done $0x0  }
0x16e: {  	[sflag:s7] =	ssyncadd.s32 $0xFFFFC000  }
0x16f: {  	[spmem:s4] =	stream.indirect.scatter.add.f32 [tilespmem:s30], [sflag:$0x8], $0x80, s20, s14, $0xb8;
	[tilespmem:$0x1DD80] =	vst v63  }
0x170: {  	_ =	swait.ge [sflag:s29], $0x80  }
0x171: {  	[sflag:s29] =	ssyncset.done $0x0  }
0x172: {  	[sflag:s29] =	ssyncadd.s32 $0xFFFFFF80  }
0x173: {  	_ =	swait.ge [sflag:s29], $0x80  }
0x174: {  	[sflag:s29] =	ssyncset.done $0x0  }
0x175: {  	[sflag:s29] =	ssyncadd.s32 $0xFFFFFF80  }
0x176: {  	_ =	swait.ge [sflag:s9], $0x4000  }
0x177: {  	[sflag:s9] =	ssyncset.done $0x0  }
0x178: {  	[sflag:s9] =	ssyncadd.s32 $0xFFFFC000  }
0x179: {  	[tilespmem:s30], [sflag:$0x6] =	stream.indirect.gather [hbm4b:s0+s14], $0x80, s14, s14, $0xb8;
	[tilespmem:$0x1DD80] =	vst v63  }
0x17a: {  	_ =	swait.ge [sflag:s31], $0x4000  }
0x17b: {  	[sflag:s31] =	ssyncset.done $0x0  }
0x17c: {  	[sflag:s31] =	ssyncadd.s32 $0xFFFFC000  }
0x17d: {  	[spmem:s4] =	stream.indirect.scatter.add.f32 [tilespmem:s26], [sflag:$0x7], $0x80, s13, s14, $0xb8;
	[tilespmem:$0x1DD80] =	vst v63  }
0x17e: {  	_ =	swait.ge [sflag:s2], $0x4000  }
0x17f: {  	[sflag:s2] =	ssyncset.done $0x0  }
0x180: {  	[sflag:s2] =	ssyncadd.s32 $0xFFFFC000  }
0x181: {  	_ =	swait.ge [sflag:s7], $0x4000  }
0x182: {  	[sflag:s7] =	ssyncset.done $0x0  }
0x183: {  	[sflag:s7] =	ssyncadd.s32 $0xFFFFC000  }
0x184: {  	[spmem:s4] =	stream.indirect.scatter.add.f32 [tilespmem:s30], [sflag:$0x8], $0x80, s15, s14, $0xb8;
	[tilespmem:$0x1DD80] =	vst v63  }
0x185: {  	_ =	swait.ge [sflag:s9], $0x4000  }
0x186: {  	[sflag:s9] =	ssyncset.done $0x0  }
0x187: {  	[sflag:s9] =	ssyncadd.s32 $0xFFFFC000  }
0x188: {  	_ =	swait.ge [sflag:s10], $0x10  }
0x189: {  	[sflag:s10] =	ssyncset.done $0x0  }
0x18a: {  	[sflag:s10] =	ssyncadd.s32 $0xFFFFFFF0  }
0x18b: {  	_ =	swait.ge [sflag:s10], $0x10  }
0x18c: {  	s17 =	simm.s32 $0x10;
	[sflag:s10] =	ssyncset.done $0x0  }
0x18d: {  	s21 =	simm.s32 $0x8500;
	s22 =	simm.s32 $0x8400;
	[sflag:s10] =	ssyncadd.s32 $0xFFFFFFF0  }
0x18e: {  	[tilespmem:s21], [sflag:$0x9] =	stream.indirect.gather [hbm4b:s0+s17], $0x80, s22, s17, $0xb8;
	[tilespmem:$0x1DD80] =	vst v63  }
0x18f: {  	_ =	swait.ge [sflag:s10], $0x800  }
0x190: {  	[sflag:s10] =	ssyncset.done $0x0  }
0x191: {  	s25 =	simm.s32 $0x8480;
	[sflag:s10] =	ssyncadd.s32 $0xFFFFF800  }
0x192: {  	[spmem:s4] =	stream.indirect.scatter.add.f32 [tilespmem:s21], [sflag:$0xB], $0x80, s25, s17, $0xb8;
	[tilespmem:$0x1DD80] =	vst v63  }
0x193: {  	s25 =	simm.s32 $0xB  }
0x194: {  	_ =	swait.ge [sflag:s25], $0x800  }
0x195: {  	[sflag:s25] =	ssyncset.done $0x0  }
0x196: {  	[sflag:s25] =	ssyncadd.s32 $0xFFFFF800  }
0x197: {  	s17 =	stileid.u32;
	[bflag:$0x0] =	sbarrier.arrive $0xFFFF  }
0x198: {  	s12 =	sshll.u32 s17, $0x6;
	s25 =	rddreg [dreg:$0x15]  }
0x199: {  	s12 =	sor.u32 $0x1C09, s12;
	s21 =	rddreg [dreg:$0x16];
	s17 =	sshrl.u32 s25, $0x3  }
0x19a: {  	[hbm:s21], [sflag:s12] =	dma.local [spmem:s17], $0x2700  }
0x19b: {  	_ =	swait.ge [sflag:s10], $0x2700  }
0x19c: {  	s17 =	sld [smem:$0x7FD];
	_ =	sdelay $0x1  }
0x19d: {  	[sflag:s10] =	ssyncset.done $0x0  }
0x19e: {  	s21 =	rddreg [dreg:$0x1b];
	[sflag:s10] =	ssyncadd.s32 $0xFFFFD900;
	s17 =	sshrl.u32 @!p0 s17, $0x3  }
0x19f: {  	[hbm:s21], [sflag:s12] =	dma.local @!p0 [spmem:s17], $0x100  }
0x1a0: {  	s12 =	simm.s32 @!p0 $0x9  }
0x1a1: {  	_ =	swait.ge @!p0 [sflag:s12], $0x100  }
0x1a2: {  	s11 =	sadd.s32 $0x1, s11;
	s21 =	rddreg [dreg:$0x1c]  }
0x1a3: {  	p1 =	sne.s32 s11, s21  }
.Ltmp2:
0x1a4: {  	_ = 	snop;
	(pc) =	sbr.rel @p1 .LBB2_1-.Ltmp2, $3  }
0x1a5: {  	_ =	sdelay $0x1  }
0x1a6: {  	[sflag:s12] =	ssyncset.done @!p0 $0x0  }
0x1a7: {  	s17 =	simm.s32 $0x8480;
	[sflag:s12] =	ssyncadd.s32 @!p0 $0xFFFFFF00  }
0x1a8: {  	_ =	sfence.sel $0x180000  }
0x1a9: {  	[bflag:$0x0] =	sbarrier.arrive $0xFFFF  }
0x1aa: {  	_ =	strace $0x90000047  }
0x1ab: {  	s0 =	stileid.u32;
	[bflag:$0x2] =	sbarrier.arrive $0xFFFF  }
0x1ac: {  	p0 =	sne.s32 s0, $0x0;
	s0 =	rddreg [dreg:$0x4]  }
0x1ad: {  	s0 =	sadd.s32 @!p0 $0x100000, s0  }
0x1ae: {  	[sflag:s0] =	ssyncadd.tile.s32 @!p0 $0x1;
	_ =	shalt  }
.Lfunc_end2:
_tile_overlayer_lowered:
.L_overlay_start_2:
0x1af: {  	(tag) =	ssettag $0x2  }
0x1b0: {  	s0 =	rddreg [dreg:$0x0];
	s2 =	stileid.u32  }
0x1b1: {  	s1 =	rddreg [dreg:$0x1];
	p0 =	sne.s32 s2, $0x0  }
0x1b2: {  	s3 =	rddreg [dreg:$0x2];
	[bflag:$0x3] =	sbarrier.arrive $0xFFFF;
	s2 =	simm.s32 @!p0 $0x1C0B  }
0x1b3: {  	[timem:s3], [sflag:s2] =	dma.local @!p0 [hbm:s0], s1  }
0x1b4: {  	s0 =	simm.s32 @!p0 $0xB  }
0x1b5: {  	_ =	swait.ge @!p0 [sflag:s0], s1  }
0x1b6: {  	s1 =	ssub.s32 @!p0 $0x0, s1;
	[sflag:s0] =	ssyncset.done @!p0 $0x0  }
0x1b7: {  	[sflag:s0] =	ssyncadd.s32 @!p0 s1  }
0x1b8: {  	[bflag:$0x3] =	sbarrier.arrive $0xFFFF  }
0x1b9: {  	_ =	shalt  }

</sc_bundles>
